<compile_context>
chip_gen: v7x
topology: tpu7x:2x2x1
jax: 0.10.2.dev20260603
libtpu: 0.0.44.dev20260713+nightly
codegen_flags: <defaults>
</compile_context>

<pallas_src>
import math

import jax
import jax.numpy as jnp
from jax import lax
from jax.experimental import pallas as pl
from jax.experimental.pallas import tpu as pltpu
from jax.experimental.pallas import tpu_sc as plsc

_TWO_PI = 2.0 * math.pi
_INV_TWO_PI = 1.0 / _TWO_PI
_RESOLUTION = 1024

_L = 16
_NW = 32
_CHUNK = 8192
_NBUF = 3


_MAGIC = float(3 * 2**22)
_SCALE = float(_RESOLUTION) * _INV_TWO_PI


def _compute_chunk(x_v, out_v, table_v):
    @plsc.parallel_loop(0, _CHUNK // _L, unroll=8)
    def _(i):
        xv = x_v[pl.ds(i * _L, _L)]
        u = xv * _SCALE
        v = (u - 0.5) + _MAGIC
        idx = plsc.bitcast(v, jnp.int32) & (_RESOLUTION - 1)
        out_v[pl.ds(i * _L, _L)] = plsc.load_gather(table_v, [idx])


def _trig_body(x_hbm, table_hbm, out_hbm, *scratch):
    x_bufs = scratch[:_NBUF]
    out_bufs = scratch[_NBUF:2 * _NBUF]
    table_v = scratch[2 * _NBUF]
    in_sems = scratch[2 * _NBUF + 1:2 * _NBUF + 1 + _NBUF]
    out_sems = scratch[2 * _NBUF + 1 + _NBUF:]
    n_per_w = x_hbm.shape[0] // _NW
    n_chunks = n_per_w // _CHUNK
    wid = lax.axis_index("s") * 2 + lax.axis_index("c")
    base = wid * n_per_w

    pltpu.sync_copy(table_hbm, table_v)

    h_in = [None] * n_chunks
    h_out = [None] * n_chunks
    for c in range(_NBUF):
        h_in[c] = pltpu.async_copy(
            x_hbm.at[pl.ds(base + c * _CHUNK, _CHUNK)], x_bufs[c], in_sems[c])
    for c in range(n_chunks):
        b = c % _NBUF
        h_in[c].wait()
        if c >= _NBUF:
            h_out[c - _NBUF].wait()
        _compute_chunk(x_bufs[b], out_bufs[b], table_v)
        h_out[c] = pltpu.async_copy(
            out_bufs[b], out_hbm.at[pl.ds(base + c * _CHUNK, _CHUNK)],
            out_sems[b])
        if c + _NBUF < n_chunks:
            h_in[c + _NBUF] = pltpu.async_copy(
                x_hbm.at[pl.ds(base + (c + _NBUF) * _CHUNK, _CHUNK)],
                x_bufs[b], in_sems[b])
    for c in range(max(0, n_chunks - _NBUF), n_chunks):
        h_out[c].wait()


def kernel(x, sin_lookup):
    n = x.size
    mesh = plsc.VectorSubcoreMesh(core_axis_name="c", subcore_axis_name="s")
    flat = pl.kernel(
        _trig_body,
        mesh=mesh,
        out_type=jax.ShapeDtypeStruct((n,), jnp.float32),
        scratch_types=(
            [pltpu.VMEM((_CHUNK,), jnp.float32)] * (2 * _NBUF)
            + [pltpu.VMEM((_RESOLUTION,), jnp.float32)]
            + [pltpu.SemaphoreType.DMA] * (2 * _NBUF)
        ),
        compiler_params=pltpu.CompilerParams(needs_layout_passes=False),
    )(x.reshape(n), sin_lookup.astype(jnp.float32))
    return flat.reshape(x.shape)

# --- scband reference (transcript-rebuilt; emitter-appended) ---
"""Pipeline reference for scband-fast-trig-lookup-33603824124328 (READ-ONLY COPY).

The authoritative reference and input builder live on the scoring server;
editing this copy changes nothing except your own understanding.
"""

import jax, jax.numpy as jnp
import numpy as np
import math

RESOLUTION = 1024

def setup_inputs(seed: int = 0) -> dict:
    key = jax.random.key(seed)
    x = jax.random.normal(key, (16384, 128), dtype=jnp.float32)
    angles = jnp.linspace(0.0, 2.0 * math.pi, RESOLUTION)
    sin_lookup = jnp.sin(angles)
    return {"x": x, "sin_lookup": sin_lookup}

def reference(x, sin_lookup):
    # Faithful translation of FastTrigLookup.sin (the module's forward path):
    # indices = (x % 2pi / 2pi * resolution).long(); return sin_lookup[indices]
    two_pi = 2.0 * math.pi
    resolution = sin_lookup.shape[0]
    indices = (jnp.mod(x, two_pi) / two_pi * resolution).astype(jnp.int32)
    return jnp.take(sin_lookup, indices, axis=0)

if __name__ == "__main__":
    import jax
    _d = setup_inputs()
    print(jax.jit(kernel)(*tuple(_d.values())))

</pallas_src>

<mosaic_0001>
#map = affine_map<(d0, d1) -> (0)>
module attributes {stable_mosaic.version = 14 : i64} {
  func.func @_trig_body(%arg0: i32, %arg1: i32, %arg2: memref<2097152xf32, #tpu.memory_space<hbm>>, %arg3: memref<1024xf32, #tpu.memory_space<hbm>>, %arg4: memref<2097152xf32, #tpu.memory_space<hbm>>, %arg5: memref<8192xf32, #tpu.memory_space<vmem>>, %arg6: memref<8192xf32, #tpu.memory_space<vmem>>, %arg7: memref<8192xf32, #tpu.memory_space<vmem>>, %arg8: memref<8192xf32, #tpu.memory_space<vmem>>, %arg9: memref<8192xf32, #tpu.memory_space<vmem>>, %arg10: memref<8192xf32, #tpu.memory_space<vmem>>, %arg11: memref<1024xf32, #tpu.memory_space<vmem>>, %arg12: memref<!tpu.dma_semaphore, #tpu.memory_space<semaphore_mem>>, %arg13: memref<!tpu.dma_semaphore, #tpu.memory_space<semaphore_mem>>, %arg14: memref<!tpu.dma_semaphore, #tpu.memory_space<semaphore_mem>>, %arg15: memref<!tpu.dma_semaphore, #tpu.memory_space<semaphore_mem>>, %arg16: memref<!tpu.dma_semaphore, #tpu.memory_space<semaphore_mem>>, %arg17: memref<!tpu.dma_semaphore, #tpu.memory_space<semaphore_mem>>) attributes {dimension_semantics = [#tpu.dimension_semantics<core_parallel>, #tpu.dimension_semantics<subcore_parallel>], iteration_bounds = array<i64: 2, 16>, scalar_prefetch = 0 : i64, scratch_operands = 13 : i64, tpu.core_type = #tpu.core_type<sc_vector_subcore>, window_params = [{transform_indices = #map}, {transform_indices = #map}, {transform_indices = #map}]} {
    %mul3A = arith.constant 2 : i32
    %mul3A_0 = arith.muli %arg1, %mul3A : i32
    %add3A = arith.addi %mul3A_0, %arg0 : i32
    %mul3A_1 = arith.constant 65536 : i32
    %mul3A_2 = arith.muli %add3A, %mul3A_1 : i32
    "tpu.region"() ({
      %run_scoped3A = tpu.sem_alloc : memref<!tpu.dma_semaphore, #tpu.memory_space<semaphore_mem>>
      tpu.enqueue_dma source(%arg3 : memref<1024xf32, #tpu.memory_space<hbm>>) target(%arg11 : memref<1024xf32, #tpu.memory_space<vmem>>) target_semaphore(%run_scoped3A : memref<!tpu.dma_semaphore, #tpu.memory_space<semaphore_mem>>)
      tpu.wait_dma2 semaphore(%run_scoped3A : memref<!tpu.dma_semaphore, #tpu.memory_space<semaphore_mem>>) src(%arg3 : memref<1024xf32, #tpu.memory_space<hbm>>) dst(%arg11 : memref<1024xf32, #tpu.memory_space<vmem>>)
      tpu.yield
    }) : () -> ()
    %add3A_3 = arith.constant 0 : i32
    %add3A_4 = arith.addi %mul3A_2, %add3A_3 : i32
    %dma_start3A = tpu.memref_slice %arg2[%add3A_4] : memref<2097152xf32, #tpu.memory_space<hbm>> -> memref<8192xf32, #tpu.memory_space<hbm>>
    %dma_start3A_5 = tpu.memref_slice %arg2[%add3A_4] : memref<2097152xf32, #tpu.memory_space<hbm>> -> memref<8192xf32, #tpu.memory_space<hbm>>
    tpu.enqueue_dma source(%dma_start3A_5 : memref<8192xf32, #tpu.memory_space<hbm>>) target(%arg5 : memref<8192xf32, #tpu.memory_space<vmem>>) target_semaphore(%arg12 : memref<!tpu.dma_semaphore, #tpu.memory_space<semaphore_mem>>)
    %add3A_6 = arith.constant 8192 : i32
    %add3A_7 = arith.addi %mul3A_2, %add3A_6 : i32
    %dma_start3A_8 = tpu.memref_slice %arg2[%add3A_7] : memref<2097152xf32, #tpu.memory_space<hbm>> -> memref<8192xf32, #tpu.memory_space<hbm>>
    %dma_start3A_9 = tpu.memref_slice %arg2[%add3A_7] : memref<2097152xf32, #tpu.memory_space<hbm>> -> memref<8192xf32, #tpu.memory_space<hbm>>
    tpu.enqueue_dma source(%dma_start3A_9 : memref<8192xf32, #tpu.memory_space<hbm>>) target(%arg6 : memref<8192xf32, #tpu.memory_space<vmem>>) target_semaphore(%arg13 : memref<!tpu.dma_semaphore, #tpu.memory_space<semaphore_mem>>)
    %add3A_10 = arith.constant 16384 : i32
    %add3A_11 = arith.addi %mul3A_2, %add3A_10 : i32
    %dma_start3A_12 = tpu.memref_slice %arg2[%add3A_11] : memref<2097152xf32, #tpu.memory_space<hbm>> -> memref<8192xf32, #tpu.memory_space<hbm>>
    %dma_start3A_13 = tpu.memref_slice %arg2[%add3A_11] : memref<2097152xf32, #tpu.memory_space<hbm>> -> memref<8192xf32, #tpu.memory_space<hbm>>
    tpu.enqueue_dma source(%dma_start3A_13 : memref<8192xf32, #tpu.memory_space<hbm>>) target(%arg7 : memref<8192xf32, #tpu.memory_space<vmem>>) target_semaphore(%arg14 : memref<!tpu.dma_semaphore, #tpu.memory_space<semaphore_mem>>)
    %dma_wait3A = tpu.memref_slice %arg2[%add3A_4] : memref<2097152xf32, #tpu.memory_space<hbm>> -> memref<8192xf32, #tpu.memory_space<hbm>>
    %dma_wait3A_14 = tpu.memref_slice %arg2[%add3A_4] : memref<2097152xf32, #tpu.memory_space<hbm>> -> memref<8192xf32, #tpu.memory_space<hbm>>
    tpu.wait_dma2 semaphore(%arg12 : memref<!tpu.dma_semaphore, #tpu.memory_space<semaphore_mem>>) src(%dma_wait3A_14 : memref<8192xf32, #tpu.memory_space<hbm>>) dst(%arg5 : memref<8192xf32, #tpu.memory_space<vmem>>)
    %parallel_loop3A = arith.constant 0 : i32
    %parallel_loop3A_15 = arith.constant 512 : i32
    %parallel_loop3A_16 = arith.constant 1 : i32
    scf.for %parallel_loop3A_120 = %parallel_loop3A to %parallel_loop3A_15 step %parallel_loop3A_16  : i32 {
      %parallel_loop3A_121 = arith.constant 16 : i32
      %parallel_loop3A_122 = arith.muli %parallel_loop3A_120, %parallel_loop3A_121 : i32
      %parallel_loop3A_123 = arith.index_cast %parallel_loop3A_122 : i32 to index
      %parallel_loop3A_124 = tpu.vector_load %arg5[%parallel_loop3A_123] {strides = array<i32>} : memref<8192xf32, #tpu.memory_space<vmem>>, vector<16xf32>,
      %parallel_loop3A_125 = arith.constant 162.974655 : f32
      %parallel_loop3A_126 = vector.broadcast %parallel_loop3A_125 : f32 to vector<16xf32>
      %parallel_loop3A_127 = arith.mulf %parallel_loop3A_124, %parallel_loop3A_126 : vector<16xf32>
      %parallel_loop3A_128 = arith.constant 5.000000e-01 : f32
      %parallel_loop3A_129 = vector.broadcast %parallel_loop3A_128 : f32 to vector<16xf32>
      %parallel_loop3A_130 = arith.subf %parallel_loop3A_127, %parallel_loop3A_129 : vector<16xf32>
      %parallel_loop3A_131 = arith.constant 0x4B400000 : f32
      %parallel_loop3A_132 = vector.broadcast %parallel_loop3A_131 : f32 to vector<16xf32>
      %parallel_loop3A_133 = arith.addf %parallel_loop3A_130, %parallel_loop3A_132 : vector<16xf32>
      %parallel_loop3A_134 = vector.bitcast %parallel_loop3A_133 : vector<16xf32> to vector<16xi32>
      %parallel_loop3A_135 = arith.constant 1023 : i32
      %parallel_loop3A_136 = vector.broadcast %parallel_loop3A_135 : i32 to vector<16xi32>
      %parallel_loop3A_137 = arith.andi %parallel_loop3A_134, %parallel_loop3A_136 : vector<16xi32>
      %parallel_loop3A_138 = tpu.vector_load_idx %arg11[%parallel_loop3A_137] : memref<1024xf32, #tpu.memory_space<vmem>>[vector<16xi32>], vector<16xf32>,
      %parallel_loop3A_139 = arith.constant 16 : i32
      %parallel_loop3A_140 = arith.muli %parallel_loop3A_120, %parallel_loop3A_139 : i32
      %parallel_loop3A_141 = arith.index_cast %parallel_loop3A_140 : i32 to index
      %parallel_loop3A_142 = tpu.vector_load %arg8[%parallel_loop3A_141] {strides = array<i32>} : memref<8192xf32, #tpu.memory_space<vmem>>, vector<16xf32>,
      tpu.vector_store %arg8[%parallel_loop3A_141], %parallel_loop3A_138 {strides = array<i32>} : memref<8192xf32, #tpu.memory_space<vmem>>, vector<16xf32>,
    } {sc.loop_unroll_factor = 8 : i64, sc.parallel_access}
    %add3A_17 = arith.constant 0 : i32
    %add3A_18 = arith.addi %mul3A_2, %add3A_17 : i32
    %dma_start3A_19 = tpu.memref_slice %arg4[%add3A_18] : memref<2097152xf32, #tpu.memory_space<hbm>> -> memref<8192xf32, #tpu.memory_space<hbm>>
    %dma_start3A_20 = tpu.memref_slice %arg4[%add3A_18] : memref<2097152xf32, #tpu.memory_space<hbm>> -> memref<8192xf32, #tpu.memory_space<hbm>>
    tpu.enqueue_dma source(%arg8 : memref<8192xf32, #tpu.memory_space<vmem>>) target(%dma_start3A_20 : memref<8192xf32, #tpu.memory_space<hbm>>) target_semaphore(%arg15 : memref<!tpu.dma_semaphore, #tpu.memory_space<semaphore_mem>>)
    %add3A_21 = arith.constant 24576 : i32
    %add3A_22 = arith.addi %mul3A_2, %add3A_21 : i32
    %dma_start3A_23 = tpu.memref_slice %arg2[%add3A_22] : memref<2097152xf32, #tpu.memory_space<hbm>> -> memref<8192xf32, #tpu.memory_space<hbm>>
    %dma_start3A_24 = tpu.memref_slice %arg2[%add3A_22] : memref<2097152xf32, #tpu.memory_space<hbm>> -> memref<8192xf32, #tpu.memory_space<hbm>>
    tpu.enqueue_dma source(%dma_start3A_24 : memref<8192xf32, #tpu.memory_space<hbm>>) target(%arg5 : memref<8192xf32, #tpu.memory_space<vmem>>) target_semaphore(%arg12 : memref<!tpu.dma_semaphore, #tpu.memory_space<semaphore_mem>>)
    %dma_wait3A_25 = tpu.memref_slice %arg2[%add3A_7] : memref<2097152xf32, #tpu.memory_space<hbm>> -> memref<8192xf32, #tpu.memory_space<hbm>>
    %dma_wait3A_26 = tpu.memref_slice %arg2[%add3A_7] : memref<2097152xf32, #tpu.memory_space<hbm>> -> memref<8192xf32, #tpu.memory_space<hbm>>
    tpu.wait_dma2 semaphore(%arg13 : memref<!tpu.dma_semaphore, #tpu.memory_space<semaphore_mem>>) src(%dma_wait3A_26 : memref<8192xf32, #tpu.memory_space<hbm>>) dst(%arg6 : memref<8192xf32, #tpu.memory_space<vmem>>)
    %parallel_loop3A_27 = arith.constant 0 : i32
    %parallel_loop3A_28 = arith.constant 512 : i32
    %parallel_loop3A_29 = arith.constant 1 : i32
    scf.for %parallel_loop3A_120 = %parallel_loop3A_27 to %parallel_loop3A_28 step %parallel_loop3A_29  : i32 {
      %parallel_loop3A_121 = arith.constant 16 : i32
      %parallel_loop3A_122 = arith.muli %parallel_loop3A_120, %parallel_loop3A_121 : i32
      %parallel_loop3A_123 = arith.index_cast %parallel_loop3A_122 : i32 to index
      %parallel_loop3A_124 = tpu.vector_load %arg6[%parallel_loop3A_123] {strides = array<i32>} : memref<8192xf32, #tpu.memory_space<vmem>>, vector<16xf32>,
      %parallel_loop3A_125 = arith.constant 162.974655 : f32
      %parallel_loop3A_126 = vector.broadcast %parallel_loop3A_125 : f32 to vector<16xf32>
      %parallel_loop3A_127 = arith.mulf %parallel_loop3A_124, %parallel_loop3A_126 : vector<16xf32>
      %parallel_loop3A_128 = arith.constant 5.000000e-01 : f32
      %parallel_loop3A_129 = vector.broadcast %parallel_loop3A_128 : f32 to vector<16xf32>
      %parallel_loop3A_130 = arith.subf %parallel_loop3A_127, %parallel_loop3A_129 : vector<16xf32>
      %parallel_loop3A_131 = arith.constant 0x4B400000 : f32
      %parallel_loop3A_132 = vector.broadcast %parallel_loop3A_131 : f32 to vector<16xf32>
      %parallel_loop3A_133 = arith.addf %parallel_loop3A_130, %parallel_loop3A_132 : vector<16xf32>
      %parallel_loop3A_134 = vector.bitcast %parallel_loop3A_133 : vector<16xf32> to vector<16xi32>
      %parallel_loop3A_135 = arith.constant 1023 : i32
      %parallel_loop3A_136 = vector.broadcast %parallel_loop3A_135 : i32 to vector<16xi32>
      %parallel_loop3A_137 = arith.andi %parallel_loop3A_134, %parallel_loop3A_136 : vector<16xi32>
      %parallel_loop3A_138 = tpu.vector_load_idx %arg11[%parallel_loop3A_137] : memref<1024xf32, #tpu.memory_space<vmem>>[vector<16xi32>], vector<16xf32>,
      %parallel_loop3A_139 = arith.constant 16 : i32
      %parallel_loop3A_140 = arith.muli %parallel_loop3A_120, %parallel_loop3A_139 : i32
      %parallel_loop3A_141 = arith.index_cast %parallel_loop3A_140 : i32 to index
      %parallel_loop3A_142 = tpu.vector_load %arg9[%parallel_loop3A_141] {strides = array<i32>} : memref<8192xf32, #tpu.memory_space<vmem>>, vector<16xf32>,
      tpu.vector_store %arg9[%parallel_loop3A_141], %parallel_loop3A_138 {strides = array<i32>} : memref<8192xf32, #tpu.memory_space<vmem>>, vector<16xf32>,
    } {sc.loop_unroll_factor = 8 : i64, sc.parallel_access}
    %add3A_30 = arith.constant 8192 : i32
    %add3A_31 = arith.addi %mul3A_2, %add3A_30 : i32
    %dma_start3A_32 = tpu.memref_slice %arg4[%add3A_31] : memref<2097152xf32, #tpu.memory_space<hbm>> -> memref<8192xf32, #tpu.memory_space<hbm>>
    %dma_start3A_33 = tpu.memref_slice %arg4[%add3A_31] : memref<2097152xf32, #tpu.memory_space<hbm>> -> memref<8192xf32, #tpu.memory_space<hbm>>
    tpu.enqueue_dma source(%arg9 : memref<8192xf32, #tpu.memory_space<vmem>>) target(%dma_start3A_33 : memref<8192xf32, #tpu.memory_space<hbm>>) target_semaphore(%arg16 : memref<!tpu.dma_semaphore, #tpu.memory_space<semaphore_mem>>)
    %add3A_34 = arith.constant 32768 : i32
    %add3A_35 = arith.addi %mul3A_2, %add3A_34 : i32
    %dma_start3A_36 = tpu.memref_slice %arg2[%add3A_35] : memref<2097152xf32, #tpu.memory_space<hbm>> -> memref<8192xf32, #tpu.memory_space<hbm>>
    %dma_start3A_37 = tpu.memref_slice %arg2[%add3A_35] : memref<2097152xf32, #tpu.memory_space<hbm>> -> memref<8192xf32, #tpu.memory_space<hbm>>
    tpu.enqueue_dma source(%dma_start3A_37 : memref<8192xf32, #tpu.memory_space<hbm>>) target(%arg6 : memref<8192xf32, #tpu.memory_space<vmem>>) target_semaphore(%arg13 : memref<!tpu.dma_semaphore, #tpu.memory_space<semaphore_mem>>)
    %dma_wait3A_38 = tpu.memref_slice %arg2[%add3A_11] : memref<2097152xf32, #tpu.memory_space<hbm>> -> memref<8192xf32, #tpu.memory_space<hbm>>
    %dma_wait3A_39 = tpu.memref_slice %arg2[%add3A_11] : memref<2097152xf32, #tpu.memory_space<hbm>> -> memref<8192xf32, #tpu.memory_space<hbm>>
    tpu.wait_dma2 semaphore(%arg14 : memref<!tpu.dma_semaphore, #tpu.memory_space<semaphore_mem>>) src(%dma_wait3A_39 : memref<8192xf32, #tpu.memory_space<hbm>>) dst(%arg7 : memref<8192xf32, #tpu.memory_space<vmem>>)
    %parallel_loop3A_40 = arith.constant 0 : i32
    %parallel_loop3A_41 = arith.constant 512 : i32
    %parallel_loop3A_42 = arith.constant 1 : i32
    scf.for %parallel_loop3A_120 = %parallel_loop3A_40 to %parallel_loop3A_41 step %parallel_loop3A_42  : i32 {
      %parallel_loop3A_121 = arith.constant 16 : i32
      %parallel_loop3A_122 = arith.muli %parallel_loop3A_120, %parallel_loop3A_121 : i32
      %parallel_loop3A_123 = arith.index_cast %parallel_loop3A_122 : i32 to index
      %parallel_loop3A_124 = tpu.vector_load %arg7[%parallel_loop3A_123] {strides = array<i32>} : memref<8192xf32, #tpu.memory_space<vmem>>, vector<16xf32>,
      %parallel_loop3A_125 = arith.constant 162.974655 : f32
      %parallel_loop3A_126 = vector.broadcast %parallel_loop3A_125 : f32 to vector<16xf32>
      %parallel_loop3A_127 = arith.mulf %parallel_loop3A_124, %parallel_loop3A_126 : vector<16xf32>
      %parallel_loop3A_128 = arith.constant 5.000000e-01 : f32
      %parallel_loop3A_129 = vector.broadcast %parallel_loop3A_128 : f32 to vector<16xf32>
      %parallel_loop3A_130 = arith.subf %parallel_loop3A_127, %parallel_loop3A_129 : vector<16xf32>
      %parallel_loop3A_131 = arith.constant 0x4B400000 : f32
      %parallel_loop3A_132 = vector.broadcast %parallel_loop3A_131 : f32 to vector<16xf32>
      %parallel_loop3A_133 = arith.addf %parallel_loop3A_130, %parallel_loop3A_132 : vector<16xf32>
      %parallel_loop3A_134 = vector.bitcast %parallel_loop3A_133 : vector<16xf32> to vector<16xi32>
      %parallel_loop3A_135 = arith.constant 1023 : i32
      %parallel_loop3A_136 = vector.broadcast %parallel_loop3A_135 : i32 to vector<16xi32>
      %parallel_loop3A_137 = arith.andi %parallel_loop3A_134, %parallel_loop3A_136 : vector<16xi32>
      %parallel_loop3A_138 = tpu.vector_load_idx %arg11[%parallel_loop3A_137] : memref<1024xf32, #tpu.memory_space<vmem>>[vector<16xi32>], vector<16xf32>,
      %parallel_loop3A_139 = arith.constant 16 : i32
      %parallel_loop3A_140 = arith.muli %parallel_loop3A_120, %parallel_loop3A_139 : i32
      %parallel_loop3A_141 = arith.index_cast %parallel_loop3A_140 : i32 to index
      %parallel_loop3A_142 = tpu.vector_load %arg10[%parallel_loop3A_141] {strides = array<i32>} : memref<8192xf32, #tpu.memory_space<vmem>>, vector<16xf32>,
      tpu.vector_store %arg10[%parallel_loop3A_141], %parallel_loop3A_138 {strides = array<i32>} : memref<8192xf32, #tpu.memory_space<vmem>>, vector<16xf32>,
    } {sc.loop_unroll_factor = 8 : i64, sc.parallel_access}
    %add3A_43 = arith.constant 16384 : i32
    %add3A_44 = arith.addi %mul3A_2, %add3A_43 : i32
    %dma_start3A_45 = tpu.memref_slice %arg4[%add3A_44] : memref<2097152xf32, #tpu.memory_space<hbm>> -> memref<8192xf32, #tpu.memory_space<hbm>>
    %dma_start3A_46 = tpu.memref_slice %arg4[%add3A_44] : memref<2097152xf32, #tpu.memory_space<hbm>> -> memref<8192xf32, #tpu.memory_space<hbm>>
    tpu.enqueue_dma source(%arg10 : memref<8192xf32, #tpu.memory_space<vmem>>) target(%dma_start3A_46 : memref<8192xf32, #tpu.memory_space<hbm>>) target_semaphore(%arg17 : memref<!tpu.dma_semaphore, #tpu.memory_space<semaphore_mem>>)
    %add3A_47 = arith.constant 40960 : i32
    %add3A_48 = arith.addi %mul3A_2, %add3A_47 : i32
    %dma_start3A_49 = tpu.memref_slice %arg2[%add3A_48] : memref<2097152xf32, #tpu.memory_space<hbm>> -> memref<8192xf32, #tpu.memory_space<hbm>>
    %dma_start3A_50 = tpu.memref_slice %arg2[%add3A_48] : memref<2097152xf32, #tpu.memory_space<hbm>> -> memref<8192xf32, #tpu.memory_space<hbm>>
    tpu.enqueue_dma source(%dma_start3A_50 : memref<8192xf32, #tpu.memory_space<hbm>>) target(%arg7 : memref<8192xf32, #tpu.memory_space<vmem>>) target_semaphore(%arg14 : memref<!tpu.dma_semaphore, #tpu.memory_space<semaphore_mem>>)
    %dma_wait3A_51 = tpu.memref_slice %arg2[%add3A_22] : memref<2097152xf32, #tpu.memory_space<hbm>> -> memref<8192xf32, #tpu.memory_space<hbm>>
    %dma_wait3A_52 = tpu.memref_slice %arg2[%add3A_22] : memref<2097152xf32, #tpu.memory_space<hbm>> -> memref<8192xf32, #tpu.memory_space<hbm>>
    tpu.wait_dma2 semaphore(%arg12 : memref<!tpu.dma_semaphore, #tpu.memory_space<semaphore_mem>>) src(%dma_wait3A_52 : memref<8192xf32, #tpu.memory_space<hbm>>) dst(%arg5 : memref<8192xf32, #tpu.memory_space<vmem>>)
    %dma_wait3A_53 = tpu.memref_slice %arg4[%add3A_18] : memref<2097152xf32, #tpu.memory_space<hbm>> -> memref<8192xf32, #tpu.memory_space<hbm>>
    %dma_wait3A_54 = tpu.memref_slice %arg4[%add3A_18] : memref<2097152xf32, #tpu.memory_space<hbm>> -> memref<8192xf32, #tpu.memory_space<hbm>>
    tpu.wait_dma2 semaphore(%arg15 : memref<!tpu.dma_semaphore, #tpu.memory_space<semaphore_mem>>) src(%arg8 : memref<8192xf32, #tpu.memory_space<vmem>>) dst(%dma_wait3A_54 : memref<8192xf32, #tpu.memory_space<hbm>>)
    %parallel_loop3A_55 = arith.constant 0 : i32
    %parallel_loop3A_56 = arith.constant 512 : i32
    %parallel_loop3A_57 = arith.constant 1 : i32
    scf.for %parallel_loop3A_120 = %parallel_loop3A_55 to %parallel_loop3A_56 step %parallel_loop3A_57  : i32 {
      %parallel_loop3A_121 = arith.constant 16 : i32
      %parallel_loop3A_122 = arith.muli %parallel_loop3A_120, %parallel_loop3A_121 : i32
      %parallel_loop3A_123 = arith.index_cast %parallel_loop3A_122 : i32 to index
      %parallel_loop3A_124 = tpu.vector_load %arg5[%parallel_loop3A_123] {strides = array<i32>} : memref<8192xf32, #tpu.memory_space<vmem>>, vector<16xf32>,
      %parallel_loop3A_125 = arith.constant 162.974655 : f32
      %parallel_loop3A_126 = vector.broadcast %parallel_loop3A_125 : f32 to vector<16xf32>
      %parallel_loop3A_127 = arith.mulf %parallel_loop3A_124, %parallel_loop3A_126 : vector<16xf32>
      %parallel_loop3A_128 = arith.constant 5.000000e-01 : f32
      %parallel_loop3A_129 = vector.broadcast %parallel_loop3A_128 : f32 to vector<16xf32>
      %parallel_loop3A_130 = arith.subf %parallel_loop3A_127, %parallel_loop3A_129 : vector<16xf32>
      %parallel_loop3A_131 = arith.constant 0x4B400000 : f32
      %parallel_loop3A_132 = vector.broadcast %parallel_loop3A_131 : f32 to vector<16xf32>
      %parallel_loop3A_133 = arith.addf %parallel_loop3A_130, %parallel_loop3A_132 : vector<16xf32>
      %parallel_loop3A_134 = vector.bitcast %parallel_loop3A_133 : vector<16xf32> to vector<16xi32>
      %parallel_loop3A_135 = arith.constant 1023 : i32
      %parallel_loop3A_136 = vector.broadcast %parallel_loop3A_135 : i32 to vector<16xi32>
      %parallel_loop3A_137 = arith.andi %parallel_loop3A_134, %parallel_loop3A_136 : vector<16xi32>
      %parallel_loop3A_138 = tpu.vector_load_idx %arg11[%parallel_loop3A_137] : memref<1024xf32, #tpu.memory_space<vmem>>[vector<16xi32>], vector<16xf32>,
      %parallel_loop3A_139 = arith.constant 16 : i32
      %parallel_loop3A_140 = arith.muli %parallel_loop3A_120, %parallel_loop3A_139 : i32
      %parallel_loop3A_141 = arith.index_cast %parallel_loop3A_140 : i32 to index
      %parallel_loop3A_142 = tpu.vector_load %arg8[%parallel_loop3A_141] {strides = array<i32>} : memref<8192xf32, #tpu.memory_space<vmem>>, vector<16xf32>,
      tpu.vector_store %arg8[%parallel_loop3A_141], %parallel_loop3A_138 {strides = array<i32>} : memref<8192xf32, #tpu.memory_space<vmem>>, vector<16xf32>,
    } {sc.loop_unroll_factor = 8 : i64, sc.parallel_access}
    %add3A_58 = arith.constant 24576 : i32
    %add3A_59 = arith.addi %mul3A_2, %add3A_58 : i32
    %dma_start3A_60 = tpu.memref_slice %arg4[%add3A_59] : memref<2097152xf32, #tpu.memory_space<hbm>> -> memref<8192xf32, #tpu.memory_space<hbm>>
    %dma_start3A_61 = tpu.memref_slice %arg4[%add3A_59] : memref<2097152xf32, #tpu.memory_space<hbm>> -> memref<8192xf32, #tpu.memory_space<hbm>>
    tpu.enqueue_dma source(%arg8 : memref<8192xf32, #tpu.memory_space<vmem>>) target(%dma_start3A_61 : memref<8192xf32, #tpu.memory_space<hbm>>) target_semaphore(%arg15 : memref<!tpu.dma_semaphore, #tpu.memory_space<semaphore_mem>>)
    %add3A_62 = arith.constant 49152 : i32
    %add3A_63 = arith.addi %mul3A_2, %add3A_62 : i32
    %dma_start3A_64 = tpu.memref_slice %arg2[%add3A_63] : memref<2097152xf32, #tpu.memory_space<hbm>> -> memref<8192xf32, #tpu.memory_space<hbm>>
    %dma_start3A_65 = tpu.memref_slice %arg2[%add3A_63] : memref<2097152xf32, #tpu.memory_space<hbm>> -> memref<8192xf32, #tpu.memory_space<hbm>>
    tpu.enqueue_dma source(%dma_start3A_65 : memref<8192xf32, #tpu.memory_space<hbm>>) target(%arg5 : memref<8192xf32, #tpu.memory_space<vmem>>) target_semaphore(%arg12 : memref<!tpu.dma_semaphore, #tpu.memory_space<semaphore_mem>>)
    %dma_wait3A_66 = tpu.memref_slice %arg2[%add3A_35] : memref<2097152xf32, #tpu.memory_space<hbm>> -> memref<8192xf32, #tpu.memory_space<hbm>>
    %dma_wait3A_67 = tpu.memref_slice %arg2[%add3A_35] : memref<2097152xf32, #tpu.memory_space<hbm>> -> memref<8192xf32, #tpu.memory_space<hbm>>
    tpu.wait_dma2 semaphore(%arg13 : memref<!tpu.dma_semaphore, #tpu.memory_space<semaphore_mem>>) src(%dma_wait3A_67 : memref<8192xf32, #tpu.memory_space<hbm>>) dst(%arg6 : memref<8192xf32, #tpu.memory_space<vmem>>)
    %dma_wait3A_68 = tpu.memref_slice %arg4[%add3A_31] : memref<2097152xf32, #tpu.memory_space<hbm>> -> memref<8192xf32, #tpu.memory_space<hbm>>
    %dma_wait3A_69 = tpu.memref_slice %arg4[%add3A_31] : memref<2097152xf32, #tpu.memory_space<hbm>> -> memref<8192xf32, #tpu.memory_space<hbm>>
    tpu.wait_dma2 semaphore(%arg16 : memref<!tpu.dma_semaphore, #tpu.memory_space<semaphore_mem>>) src(%arg9 : memref<8192xf32, #tpu.memory_space<vmem>>) dst(%dma_wait3A_69 : memref<8192xf32, #tpu.memory_space<hbm>>)
    %parallel_loop3A_70 = arith.constant 0 : i32
    %parallel_loop3A_71 = arith.constant 512 : i32
    %parallel_loop3A_72 = arith.constant 1 : i32
    scf.for %parallel_loop3A_120 = %parallel_loop3A_70 to %parallel_loop3A_71 step %parallel_loop3A_72  : i32 {
      %parallel_loop3A_121 = arith.constant 16 : i32
      %parallel_loop3A_122 = arith.muli %parallel_loop3A_120, %parallel_loop3A_121 : i32
      %parallel_loop3A_123 = arith.index_cast %parallel_loop3A_122 : i32 to index
      %parallel_loop3A_124 = tpu.vector_load %arg6[%parallel_loop3A_123] {strides = array<i32>} : memref<8192xf32, #tpu.memory_space<vmem>>, vector<16xf32>,
      %parallel_loop3A_125 = arith.constant 162.974655 : f32
      %parallel_loop3A_126 = vector.broadcast %parallel_loop3A_125 : f32 to vector<16xf32>
      %parallel_loop3A_127 = arith.mulf %parallel_loop3A_124, %parallel_loop3A_126 : vector<16xf32>
      %parallel_loop3A_128 = arith.constant 5.000000e-01 : f32
      %parallel_loop3A_129 = vector.broadcast %parallel_loop3A_128 : f32 to vector<16xf32>
      %parallel_loop3A_130 = arith.subf %parallel_loop3A_127, %parallel_loop3A_129 : vector<16xf32>
      %parallel_loop3A_131 = arith.constant 0x4B400000 : f32
      %parallel_loop3A_132 = vector.broadcast %parallel_loop3A_131 : f32 to vector<16xf32>
      %parallel_loop3A_133 = arith.addf %parallel_loop3A_130, %parallel_loop3A_132 : vector<16xf32>
      %parallel_loop3A_134 = vector.bitcast %parallel_loop3A_133 : vector<16xf32> to vector<16xi32>
      %parallel_loop3A_135 = arith.constant 1023 : i32
      %parallel_loop3A_136 = vector.broadcast %parallel_loop3A_135 : i32 to vector<16xi32>
      %parallel_loop3A_137 = arith.andi %parallel_loop3A_134, %parallel_loop3A_136 : vector<16xi32>
      %parallel_loop3A_138 = tpu.vector_load_idx %arg11[%parallel_loop3A_137] : memref<1024xf32, #tpu.memory_space<vmem>>[vector<16xi32>], vector<16xf32>,
      %parallel_loop3A_139 = arith.constant 16 : i32
      %parallel_loop3A_140 = arith.muli %parallel_loop3A_120, %parallel_loop3A_139 : i32
      %parallel_loop3A_141 = arith.index_cast %parallel_loop3A_140 : i32 to index
      %parallel_loop3A_142 = tpu.vector_load %arg9[%parallel_loop3A_141] {strides = array<i32>} : memref<8192xf32, #tpu.memory_space<vmem>>, vector<16xf32>,
      tpu.vector_store %arg9[%parallel_loop3A_141], %parallel_loop3A_138 {strides = array<i32>} : memref<8192xf32, #tpu.memory_space<vmem>>, vector<16xf32>,
    } {sc.loop_unroll_factor = 8 : i64, sc.parallel_access}
    %add3A_73 = arith.constant 32768 : i32
    %add3A_74 = arith.addi %mul3A_2, %add3A_73 : i32
    %dma_start3A_75 = tpu.memref_slice %arg4[%add3A_74] : memref<2097152xf32, #tpu.memory_space<hbm>> -> memref<8192xf32, #tpu.memory_space<hbm>>
    %dma_start3A_76 = tpu.memref_slice %arg4[%add3A_74] : memref<2097152xf32, #tpu.memory_space<hbm>> -> memref<8192xf32, #tpu.memory_space<hbm>>
    tpu.enqueue_dma source(%arg9 : memref<8192xf32, #tpu.memory_space<vmem>>) target(%dma_start3A_76 : memref<8192xf32, #tpu.memory_space<hbm>>) target_semaphore(%arg16 : memref<!tpu.dma_semaphore, #tpu.memory_space<semaphore_mem>>)
    %add3A_77 = arith.constant 57344 : i32
    %add3A_78 = arith.addi %mul3A_2, %add3A_77 : i32
    %dma_start3A_79 = tpu.memref_slice %arg2[%add3A_78] : memref<2097152xf32, #tpu.memory_space<hbm>> -> memref<8192xf32, #tpu.memory_space<hbm>>
    %dma_start3A_80 = tpu.memref_slice %arg2[%add3A_78] : memref<2097152xf32, #tpu.memory_space<hbm>> -> memref<8192xf32, #tpu.memory_space<hbm>>
    tpu.enqueue_dma source(%dma_start3A_80 : memref<8192xf32, #tpu.memory_space<hbm>>) target(%arg6 : memref<8192xf32, #tpu.memory_space<vmem>>) target_semaphore(%arg13 : memref<!tpu.dma_semaphore, #tpu.memory_space<semaphore_mem>>)
    %dma_wait3A_81 = tpu.memref_slice %arg2[%add3A_48] : memref<2097152xf32, #tpu.memory_space<hbm>> -> memref<8192xf32, #tpu.memory_space<hbm>>
    %dma_wait3A_82 = tpu.memref_slice %arg2[%add3A_48] : memref<2097152xf32, #tpu.memory_space<hbm>> -> memref<8192xf32, #tpu.memory_space<hbm>>
    tpu.wait_dma2 semaphore(%arg14 : memref<!tpu.dma_semaphore, #tpu.memory_space<semaphore_mem>>) src(%dma_wait3A_82 : memref<8192xf32, #tpu.memory_space<hbm>>) dst(%arg7 : memref<8192xf32, #tpu.memory_space<vmem>>)
    %dma_wait3A_83 = tpu.memref_slice %arg4[%add3A_44] : memref<2097152xf32, #tpu.memory_space<hbm>> -> memref<8192xf32, #tpu.memory_space<hbm>>
    %dma_wait3A_84 = tpu.memref_slice %arg4[%add3A_44] : memref<2097152xf32, #tpu.memory_space<hbm>> -> memref<8192xf32, #tpu.memory_space<hbm>>
    tpu.wait_dma2 semaphore(%arg17 : memref<!tpu.dma_semaphore, #tpu.memory_space<semaphore_mem>>) src(%arg10 : memref<8192xf32, #tpu.memory_space<vmem>>) dst(%dma_wait3A_84 : memref<8192xf32, #tpu.memory_space<hbm>>)
    %parallel_loop3A_85 = arith.constant 0 : i32
    %parallel_loop3A_86 = arith.constant 512 : i32
    %parallel_loop3A_87 = arith.constant 1 : i32
    scf.for %parallel_loop3A_120 = %parallel_loop3A_85 to %parallel_loop3A_86 step %parallel_loop3A_87  : i32 {
      %parallel_loop3A_121 = arith.constant 16 : i32
      %parallel_loop3A_122 = arith.muli %parallel_loop3A_120, %parallel_loop3A_121 : i32
      %parallel_loop3A_123 = arith.index_cast %parallel_loop3A_122 : i32 to index
      %parallel_loop3A_124 = tpu.vector_load %arg7[%parallel_loop3A_123] {strides = array<i32>} : memref<8192xf32, #tpu.memory_space<vmem>>, vector<16xf32>,
      %parallel_loop3A_125 = arith.constant 162.974655 : f32
      %parallel_loop3A_126 = vector.broadcast %parallel_loop3A_125 : f32 to vector<16xf32>
      %parallel_loop3A_127 = arith.mulf %parallel_loop3A_124, %parallel_loop3A_126 : vector<16xf32>
      %parallel_loop3A_128 = arith.constant 5.000000e-01 : f32
      %parallel_loop3A_129 = vector.broadcast %parallel_loop3A_128 : f32 to vector<16xf32>
      %parallel_loop3A_130 = arith.subf %parallel_loop3A_127, %parallel_loop3A_129 : vector<16xf32>
      %parallel_loop3A_131 = arith.constant 0x4B400000 : f32
      %parallel_loop3A_132 = vector.broadcast %parallel_loop3A_131 : f32 to vector<16xf32>
      %parallel_loop3A_133 = arith.addf %parallel_loop3A_130, %parallel_loop3A_132 : vector<16xf32>
      %parallel_loop3A_134 = vector.bitcast %parallel_loop3A_133 : vector<16xf32> to vector<16xi32>
      %parallel_loop3A_135 = arith.constant 1023 : i32
      %parallel_loop3A_136 = vector.broadcast %parallel_loop3A_135 : i32 to vector<16xi32>
      %parallel_loop3A_137 = arith.andi %parallel_loop3A_134, %parallel_loop3A_136 : vector<16xi32>
      %parallel_loop3A_138 = tpu.vector_load_idx %arg11[%parallel_loop3A_137] : memref<1024xf32, #tpu.memory_space<vmem>>[vector<16xi32>], vector<16xf32>,
      %parallel_loop3A_139 = arith.constant 16 : i32
      %parallel_loop3A_140 = arith.muli %parallel_loop3A_120, %parallel_loop3A_139 : i32
      %parallel_loop3A_141 = arith.index_cast %parallel_loop3A_140 : i32 to index
      %parallel_loop3A_142 = tpu.vector_load %arg10[%parallel_loop3A_141] {strides = array<i32>} : memref<8192xf32, #tpu.memory_space<vmem>>, vector<16xf32>,
      tpu.vector_store %arg10[%parallel_loop3A_141], %parallel_loop3A_138 {strides = array<i32>} : memref<8192xf32, #tpu.memory_space<vmem>>, vector<16xf32>,
    } {sc.loop_unroll_factor = 8 : i64, sc.parallel_access}
    %add3A_88 = arith.constant 40960 : i32
    %add3A_89 = arith.addi %mul3A_2, %add3A_88 : i32
    %dma_start3A_90 = tpu.memref_slice %arg4[%add3A_89] : memref<2097152xf32, #tpu.memory_space<hbm>> -> memref<8192xf32, #tpu.memory_space<hbm>>
    %dma_start3A_91 = tpu.memref_slice %arg4[%add3A_89] : memref<2097152xf32, #tpu.memory_space<hbm>> -> memref<8192xf32, #tpu.memory_space<hbm>>
    tpu.enqueue_dma source(%arg10 : memref<8192xf32, #tpu.memory_space<vmem>>) target(%dma_start3A_91 : memref<8192xf32, #tpu.memory_space<hbm>>) target_semaphore(%arg17 : memref<!tpu.dma_semaphore, #tpu.memory_space<semaphore_mem>>)
    %dma_wait3A_92 = tpu.memref_slice %arg2[%add3A_63] : memref<2097152xf32, #tpu.memory_space<hbm>> -> memref<8192xf32, #tpu.memory_space<hbm>>
    %dma_wait3A_93 = tpu.memref_slice %arg2[%add3A_63] : memref<2097152xf32, #tpu.memory_space<hbm>> -> memref<8192xf32, #tpu.memory_space<hbm>>
    tpu.wait_dma2 semaphore(%arg12 : memref<!tpu.dma_semaphore, #tpu.memory_space<semaphore_mem>>) src(%dma_wait3A_93 : memref<8192xf32, #tpu.memory_space<hbm>>) dst(%arg5 : memref<8192xf32, #tpu.memory_space<vmem>>)
    %dma_wait3A_94 = tpu.memref_slice %arg4[%add3A_59] : memref<2097152xf32, #tpu.memory_space<hbm>> -> memref<8192xf32, #tpu.memory_space<hbm>>
    %dma_wait3A_95 = tpu.memref_slice %arg4[%add3A_59] : memref<2097152xf32, #tpu.memory_space<hbm>> -> memref<8192xf32, #tpu.memory_space<hbm>>
    tpu.wait_dma2 semaphore(%arg15 : memref<!tpu.dma_semaphore, #tpu.memory_space<semaphore_mem>>) src(%arg8 : memref<8192xf32, #tpu.memory_space<vmem>>) dst(%dma_wait3A_95 : memref<8192xf32, #tpu.memory_space<hbm>>)
    %parallel_loop3A_96 = arith.constant 0 : i32
    %parallel_loop3A_97 = arith.constant 512 : i32
    %parallel_loop3A_98 = arith.constant 1 : i32
    scf.for %parallel_loop3A_120 = %parallel_loop3A_96 to %parallel_loop3A_97 step %parallel_loop3A_98  : i32 {
      %parallel_loop3A_121 = arith.constant 16 : i32
      %parallel_loop3A_122 = arith.muli %parallel_loop3A_120, %parallel_loop3A_121 : i32
      %parallel_loop3A_123 = arith.index_cast %parallel_loop3A_122 : i32 to index
      %parallel_loop3A_124 = tpu.vector_load %arg5[%parallel_loop3A_123] {strides = array<i32>} : memref<8192xf32, #tpu.memory_space<vmem>>, vector<16xf32>,
      %parallel_loop3A_125 = arith.constant 162.974655 : f32
      %parallel_loop3A_126 = vector.broadcast %parallel_loop3A_125 : f32 to vector<16xf32>
      %parallel_loop3A_127 = arith.mulf %parallel_loop3A_124, %parallel_loop3A_126 : vector<16xf32>
      %parallel_loop3A_128 = arith.constant 5.000000e-01 : f32
      %parallel_loop3A_129 = vector.broadcast %parallel_loop3A_128 : f32 to vector<16xf32>
      %parallel_loop3A_130 = arith.subf %parallel_loop3A_127, %parallel_loop3A_129 : vector<16xf32>
      %parallel_loop3A_131 = arith.constant 0x4B400000 : f32
      %parallel_loop3A_132 = vector.broadcast %parallel_loop3A_131 : f32 to vector<16xf32>
      %parallel_loop3A_133 = arith.addf %parallel_loop3A_130, %parallel_loop3A_132 : vector<16xf32>
      %parallel_loop3A_134 = vector.bitcast %parallel_loop3A_133 : vector<16xf32> to vector<16xi32>
      %parallel_loop3A_135 = arith.constant 1023 : i32
      %parallel_loop3A_136 = vector.broadcast %parallel_loop3A_135 : i32 to vector<16xi32>
      %parallel_loop3A_137 = arith.andi %parallel_loop3A_134, %parallel_loop3A_136 : vector<16xi32>
      %parallel_loop3A_138 = tpu.vector_load_idx %arg11[%parallel_loop3A_137] : memref<1024xf32, #tpu.memory_space<vmem>>[vector<16xi32>], vector<16xf32>,
      %parallel_loop3A_139 = arith.constant 16 : i32
      %parallel_loop3A_140 = arith.muli %parallel_loop3A_120, %parallel_loop3A_139 : i32
      %parallel_loop3A_141 = arith.index_cast %parallel_loop3A_140 : i32 to index
      %parallel_loop3A_142 = tpu.vector_load %arg8[%parallel_loop3A_141] {strides = array<i32>} : memref<8192xf32, #tpu.memory_space<vmem>>, vector<16xf32>,
      tpu.vector_store %arg8[%parallel_loop3A_141], %parallel_loop3A_138 {strides = array<i32>} : memref<8192xf32, #tpu.memory_space<vmem>>, vector<16xf32>,
    } {sc.loop_unroll_factor = 8 : i64, sc.parallel_access}
    %add3A_99 = arith.constant 49152 : i32
    %add3A_100 = arith.addi %mul3A_2, %add3A_99 : i32
    %dma_start3A_101 = tpu.memref_slice %arg4[%add3A_100] : memref<2097152xf32, #tpu.memory_space<hbm>> -> memref<8192xf32, #tpu.memory_space<hbm>>
    %dma_start3A_102 = tpu.memref_slice %arg4[%add3A_100] : memref<2097152xf32, #tpu.memory_space<hbm>> -> memref<8192xf32, #tpu.memory_space<hbm>>
    tpu.enqueue_dma source(%arg8 : memref<8192xf32, #tpu.memory_space<vmem>>) target(%dma_start3A_102 : memref<8192xf32, #tpu.memory_space<hbm>>) target_semaphore(%arg15 : memref<!tpu.dma_semaphore, #tpu.memory_space<semaphore_mem>>)
    %dma_wait3A_103 = tpu.memref_slice %arg2[%add3A_78] : memref<2097152xf32, #tpu.memory_space<hbm>> -> memref<8192xf32, #tpu.memory_space<hbm>>
    %dma_wait3A_104 = tpu.memref_slice %arg2[%add3A_78] : memref<2097152xf32, #tpu.memory_space<hbm>> -> memref<8192xf32, #tpu.memory_space<hbm>>
    tpu.wait_dma2 semaphore(%arg13 : memref<!tpu.dma_semaphore, #tpu.memory_space<semaphore_mem>>) src(%dma_wait3A_104 : memref<8192xf32, #tpu.memory_space<hbm>>) dst(%arg6 : memref<8192xf32, #tpu.memory_space<vmem>>)
    %dma_wait3A_105 = tpu.memref_slice %arg4[%add3A_74] : memref<2097152xf32, #tpu.memory_space<hbm>> -> memref<8192xf32, #tpu.memory_space<hbm>>
    %dma_wait3A_106 = tpu.memref_slice %arg4[%add3A_74] : memref<2097152xf32, #tpu.memory_space<hbm>> -> memref<8192xf32, #tpu.memory_space<hbm>>
    tpu.wait_dma2 semaphore(%arg16 : memref<!tpu.dma_semaphore, #tpu.memory_space<semaphore_mem>>) src(%arg9 : memref<8192xf32, #tpu.memory_space<vmem>>) dst(%dma_wait3A_106 : memref<8192xf32, #tpu.memory_space<hbm>>)
    %parallel_loop3A_107 = arith.constant 0 : i32
    %parallel_loop3A_108 = arith.constant 512 : i32
    %parallel_loop3A_109 = arith.constant 1 : i32
    scf.for %parallel_loop3A_120 = %parallel_loop3A_107 to %parallel_loop3A_108 step %parallel_loop3A_109  : i32 {
      %parallel_loop3A_121 = arith.constant 16 : i32
      %parallel_loop3A_122 = arith.muli %parallel_loop3A_120, %parallel_loop3A_121 : i32
      %parallel_loop3A_123 = arith.index_cast %parallel_loop3A_122 : i32 to index
      %parallel_loop3A_124 = tpu.vector_load %arg6[%parallel_loop3A_123] {strides = array<i32>} : memref<8192xf32, #tpu.memory_space<vmem>>, vector<16xf32>,
      %parallel_loop3A_125 = arith.constant 162.974655 : f32
      %parallel_loop3A_126 = vector.broadcast %parallel_loop3A_125 : f32 to vector<16xf32>
      %parallel_loop3A_127 = arith.mulf %parallel_loop3A_124, %parallel_loop3A_126 : vector<16xf32>
      %parallel_loop3A_128 = arith.constant 5.000000e-01 : f32
      %parallel_loop3A_129 = vector.broadcast %parallel_loop3A_128 : f32 to vector<16xf32>
      %parallel_loop3A_130 = arith.subf %parallel_loop3A_127, %parallel_loop3A_129 : vector<16xf32>
      %parallel_loop3A_131 = arith.constant 0x4B400000 : f32
      %parallel_loop3A_132 = vector.broadcast %parallel_loop3A_131 : f32 to vector<16xf32>
      %parallel_loop3A_133 = arith.addf %parallel_loop3A_130, %parallel_loop3A_132 : vector<16xf32>
      %parallel_loop3A_134 = vector.bitcast %parallel_loop3A_133 : vector<16xf32> to vector<16xi32>
      %parallel_loop3A_135 = arith.constant 1023 : i32
      %parallel_loop3A_136 = vector.broadcast %parallel_loop3A_135 : i32 to vector<16xi32>
      %parallel_loop3A_137 = arith.andi %parallel_loop3A_134, %parallel_loop3A_136 : vector<16xi32>
      %parallel_loop3A_138 = tpu.vector_load_idx %arg11[%parallel_loop3A_137] : memref<1024xf32, #tpu.memory_space<vmem>>[vector<16xi32>], vector<16xf32>,
      %parallel_loop3A_139 = arith.constant 16 : i32
      %parallel_loop3A_140 = arith.muli %parallel_loop3A_120, %parallel_loop3A_139 : i32
      %parallel_loop3A_141 = arith.index_cast %parallel_loop3A_140 : i32 to index
      %parallel_loop3A_142 = tpu.vector_load %arg9[%parallel_loop3A_141] {strides = array<i32>} : memref<8192xf32, #tpu.memory_space<vmem>>, vector<16xf32>,
      tpu.vector_store %arg9[%parallel_loop3A_141], %parallel_loop3A_138 {strides = array<i32>} : memref<8192xf32, #tpu.memory_space<vmem>>, vector<16xf32>,
    } {sc.loop_unroll_factor = 8 : i64, sc.parallel_access}
    %add3A_110 = arith.constant 57344 : i32
    %add3A_111 = arith.addi %mul3A_2, %add3A_110 : i32
    %dma_start3A_112 = tpu.memref_slice %arg4[%add3A_111] : memref<2097152xf32, #tpu.memory_space<hbm>> -> memref<8192xf32, #tpu.memory_space<hbm>>
    %dma_start3A_113 = tpu.memref_slice %arg4[%add3A_111] : memref<2097152xf32, #tpu.memory_space<hbm>> -> memref<8192xf32, #tpu.memory_space<hbm>>
    tpu.enqueue_dma source(%arg9 : memref<8192xf32, #tpu.memory_space<vmem>>) target(%dma_start3A_113 : memref<8192xf32, #tpu.memory_space<hbm>>) target_semaphore(%arg16 : memref<!tpu.dma_semaphore, #tpu.memory_space<semaphore_mem>>)
    %dma_wait3A_114 = tpu.memref_slice %arg4[%add3A_89] : memref<2097152xf32, #tpu.memory_space<hbm>> -> memref<8192xf32, #tpu.memory_space<hbm>>
    %dma_wait3A_115 = tpu.memref_slice %arg4[%add3A_89] : memref<2097152xf32, #tpu.memory_space<hbm>> -> memref<8192xf32, #tpu.memory_space<hbm>>
    tpu.wait_dma2 semaphore(%arg17 : memref<!tpu.dma_semaphore, #tpu.memory_space<semaphore_mem>>) src(%arg10 : memref<8192xf32, #tpu.memory_space<vmem>>) dst(%dma_wait3A_115 : memref<8192xf32, #tpu.memory_space<hbm>>)
    %dma_wait3A_116 = tpu.memref_slice %arg4[%add3A_100] : memref<2097152xf32, #tpu.memory_space<hbm>> -> memref<8192xf32, #tpu.memory_space<hbm>>
    %dma_wait3A_117 = tpu.memref_slice %arg4[%add3A_100] : memref<2097152xf32, #tpu.memory_space<hbm>> -> memref<8192xf32, #tpu.memory_space<hbm>>
    tpu.wait_dma2 semaphore(%arg15 : memref<!tpu.dma_semaphore, #tpu.memory_space<semaphore_mem>>) src(%arg8 : memref<8192xf32, #tpu.memory_space<vmem>>) dst(%dma_wait3A_117 : memref<8192xf32, #tpu.memory_space<hbm>>)
    %dma_wait3A_118 = tpu.memref_slice %arg4[%add3A_111] : memref<2097152xf32, #tpu.memory_space<hbm>> -> memref<8192xf32, #tpu.memory_space<hbm>>
    %dma_wait3A_119 = tpu.memref_slice %arg4[%add3A_111] : memref<2097152xf32, #tpu.memory_space<hbm>> -> memref<8192xf32, #tpu.memory_space<hbm>>
    tpu.wait_dma2 semaphore(%arg16 : memref<!tpu.dma_semaphore, #tpu.memory_space<semaphore_mem>>) src(%arg9 : memref<8192xf32, #tpu.memory_space<vmem>>) dst(%dma_wait3A_119 : memref<8192xf32, #tpu.memory_space<hbm>>)
    return
  }
}

</mosaic_0001>

<sc_bundles>
// kernel: kernel.3.cloned.1.call-start
scs
__scs_entry_jumppad:
0x0: {  	(pc) =	sbr.rel $0x88, $3  }
0x1: {  	(tag) =	ssettag $0x0;
	lr =	simm.s32 $0x1  }
0x2: {  	[smem:$0x3F9F] =	sst lr;
	_ =	strace $0xD0000000  }
0x3: {  	_ = 	snop  }
0x4: {  	_ = 	snop  }
0x5: {  	_ = 	snop  }
0x6: {  	_ = 	snop  }
0x7: {  	_ = 	snop  }
__scs_overlays_trampoline_lowered:
0x8: {  	[smem:$0x3FAE] =	sst s0  }
0x9: {  	[smem:$0x3FAF] =	sst s1  }
0xa: {  	[smem:$0x3FB0] =	sst s2  }
0xb: {  	[smem:$0x3FB1] =	sst s3  }
0xc: {  	[smem:$0x3FB2] =	sst s4  }
0xd: {  	[smem:$0x3FB3] =	sst s5  }
0xe: {  	[smem:$0x3FB4] =	sst s6  }
0xf: {  	[smem:$0x3FB5] =	sst s7  }
0x10: {  	[smem:$0x3FB6] =	sst s8  }
0x11: {  	[smem:$0x3FB7] =	sst s9;
	s0 =	simm.s32 @!p0 $0x0  }
0x12: {  	s1 =	sld [smem:$0x3F9D];
	s0 =	simm.s32 @p0 $0x1  }
0x13: {  	[smem:$0x3FB8] =	sst s0;
	s0 =	simm.s32 @!p1 $0x0  }
0x14: {  	s2 =	sld [smem:$0x3F9C];
	s0 =	simm.s32 @p1 $0x1  }
0x15: {  	[smem:$0x3FB9] =	sst s0;
	s0 =	simm.s32 @!p2 $0x0  }
0x16: {  	s3 =	sld [smem:$0x3FDB];
	s0 =	simm.s32 @p2 $0x1  }
0x17: {  	s4 =	simm.s32 $0x1BF5;
	[smem:$0x3FBB] =	sst s0  }
0x18: {  	s0 =	sld [smem:$0x3F9E];
	_ =	swait.ge [sflag:s4], $0x0  }
0x19: {  	s7 =	sld [smem:$0x3F9F]  }
0x1a: {  	s8 =	sadd.s32 $0xFFFFE003, lr  }
0x1b: {  	s9 =	sadd.s32 $0xFFFFFEF7, lr;
	s5 =	simm.s32 $0xFFFFFFFF;
	p2 =	slt.u32 s8, $0xFFFFF086  }
0x1c: {  	p1 =	slt.u32 s9, $0xF7A;
	s5 =	simm.s32 @!p2 $0x0  }
0x1d: {  	s5 =	simm.s32 @p1 $0x1;
	p0 =	seq.s32 s7, s2  }
0x1e: {  	s7 =	smul.u32 @!p0 $0xF7A, s2;
	p2 =	seq.s32 @!p0 s5, $0x0  }
0x1f: {  	s9 =	smul.u32 $0xF7A, s1;
	s8 =	simm.s32 @!p0 $0x1BF5;
	p2 =	por !p2, p0  }
0x20: {  	[sflag:s8] =	ssyncset.s32 @!p0 $0xFFFFF086;
	s6 =	sadd.s32 @!p0 s3, s7;
	s7 =	simm.s32 @!p0 $0x108  }
0x21: {  	s3 =	sadd.s32 s3, s9;
	s6 =	sadd.s32 @!p0 $0x88, s6;
	s7 =	simm.s32 @p2 $0x1082  }
0x22: {  	[simem:s7], [sflag:s8] =	dma.local @!p0 [hbm:s6], $0xF7A  }
0x23: {  	s9 =	sor.u32 $0xD0000000, s2;
	s6 =	simm.s32 $0x108;
	_ =	swait.ge @!p0 [sflag:s8], $0x0  }
0x24: {  	s3 =	sadd.s32 $0x88, s3;
	s6 =	simm.s32 @!p1 $0x1082;
	[sflag:s4] =	ssyncset.s32 $0xFFFFF086  }
0x25: {  	[simem:s6], [sflag:s4] =	dma.local [hbm:s3], $0xF7A  }
0x26: {  	[smem:$0x3F9F] =	sst s1;
	(tag) =	ssettag s2;
	_ =	strace s9  }
0x27: {  	s1 =	sld [smem:$0x3FAF]  }
0x28: {  	s2 =	sld [smem:$0x3FB0]  }
0x29: {  	s4 =	sld [smem:$0x3FB2]  }
0x2a: {  	p0 =	seq.s32 s5, $0x0;
	s5 =	sld [smem:$0x3FB3]  }
0x2b: {  	s6 =	sld [smem:$0x3FB4]  }
0x2c: {  	s7 =	sld [smem:$0x3FB5]  }
0x2d: {  	s3 =	simm.s32 $0x108;
	s8 =	sld [smem:$0x3FB6]  }
0x2e: {  	s3 =	simm.s32 @!p0 $0x1082;
	s9 =	sld [smem:$0x3FB7]  }
0x2f: {  	lr =	sadd.s32 s0, s3;
	s0 =	sld [smem:$0x3FAE]  }
0x30: {  	s3 =	sld [smem:$0x3FB1]  }
0x31: {  	[smem:$0x3FBA] =	sst s10  }
0x32: {  	s10 =	sld [smem:$0x3FB8];
	_ =	sdelay $0x3  }
0x33: {  	p0 =	seq.s32 s10, $0x1;
	s10 =	sld [smem:$0x3FBA];
	_ =	sdelay $0x3  }
0x34: {  	[smem:$0x3FBA] =	sst s10  }
0x35: {  	s10 =	sld [smem:$0x3FB9];
	_ =	sdelay $0x3  }
0x36: {  	p1 =	seq.s32 s10, $0x1;
	s10 =	sld [smem:$0x3FBA];
	_ =	sdelay $0x3  }
0x37: {  	[smem:$0x3FBA] =	sst s10  }
0x38: {  	s10 =	sld [smem:$0x3FBB]  }
0x39: {  	_ = 	snop;
	(pc) =	sbr.ind lr, $3  }
0x3a: {  	_ = 	snop  }
0x3b: {  	_ = 	snop  }
0x3c: {  	p2 =	seq.s32 s10, $0x1;
	s10 =	sld [smem:$0x3FBA]  }
0x3d: {  	_ =	shalt  }
0x3e: {  	_ =	shalt  }
0x3f: {  	_ =	shalt  }
0x40: {  	_ =	shalt  }
0x41: {  	_ =	shalt  }
0x42: {  	_ =	shalt  }
0x43: {  	_ =	shalt  }
0x44: {  	_ =	shalt  }
0x45: {  	_ =	shalt  }
0x46: {  	_ =	shalt  }
0x47: {  	_ =	shalt  }
0x48: {  	_ =	shalt  }
0x49: {  	_ =	shalt  }
0x4a: {  	_ =	shalt  }
0x4b: {  	_ =	shalt  }
0x4c: {  	_ =	shalt  }
0x4d: {  	_ =	shalt  }
0x4e: {  	_ =	shalt  }
0x4f: {  	_ =	shalt  }
0x50: {  	_ =	shalt  }
0x51: {  	_ =	shalt  }
0x52: {  	_ =	shalt  }
0x53: {  	_ =	shalt  }
0x54: {  	_ =	shalt  }
0x55: {  	_ =	shalt  }
0x56: {  	_ =	shalt  }
0x57: {  	_ =	shalt  }
0x58: {  	_ =	shalt  }
0x59: {  	_ =	shalt  }
0x5a: {  	_ =	shalt  }
0x5b: {  	_ =	shalt  }
0x5c: {  	_ =	shalt  }
0x5d: {  	_ =	shalt  }
0x5e: {  	_ =	shalt  }
0x5f: {  	_ =	shalt  }
0x60: {  	_ =	shalt  }
0x61: {  	_ =	shalt  }
0x62: {  	_ =	shalt  }
0x63: {  	_ =	shalt  }
0x64: {  	_ =	shalt  }
0x65: {  	_ =	shalt  }
0x66: {  	_ =	shalt  }
0x67: {  	_ =	shalt  }
0x68: {  	_ =	shalt  }
0x69: {  	_ =	shalt  }
0x6a: {  	_ =	shalt  }
0x6b: {  	_ =	shalt  }
0x6c: {  	_ =	shalt  }
0x6d: {  	_ =	shalt  }
0x6e: {  	_ =	shalt  }
0x6f: {  	_ =	shalt  }
0x70: {  	_ =	shalt  }
0x71: {  	_ =	shalt  }
0x72: {  	_ =	shalt  }
0x73: {  	_ =	shalt  }
0x74: {  	_ =	shalt  }
0x75: {  	_ =	shalt  }
0x76: {  	_ =	shalt  }
0x77: {  	_ =	shalt  }
0x78: {  	_ =	shalt  }
0x79: {  	_ =	shalt  }
0x7a: {  	_ =	shalt  }
0x7b: {  	_ =	shalt  }
0x7c: {  	_ =	shalt  }
0x7d: {  	_ =	shalt  }
0x7e: {  	_ =	shalt  }
0x7f: {  	_ =	shalt  }
0x80: {  	_ =	shalt  }
0x81: {  	_ =	shalt  }
0x82: {  	_ =	shalt  }
0x83: {  	_ =	shalt  }
0x84: {  	_ =	shalt  }
0x85: {  	_ =	shalt  }
0x86: {  	_ =	shalt  }
0x87: {  	_ =	shalt  }
.Lfunc_end0:
.L_simem_size_0:
called_computation_lowered:
.L_overlay_start_0:
0x88: {  	s2 =	sld [smem:$0x3FD9]  }
0x89: {  	s3 =	sld [smem:$0x3FFE];
	_ =	sdelay $0x1  }
0x8a: {  	s1 =	srdreg.scid  }
0x8b: {  	s0 =	sand.u32 $0x1, s1  }
0x8c: {  	s18 =	sshll.u32 s0, $0xA;
	s2 =	sadd.s32 s3, s2  }
0x8d: {  	s2 =	sadd.s32 s2, s18  }
0x8e: {  	[smem:$0x3FC6] =	sst s2  }
0x8f: {  	_ = 	snop  }
0x90: {  	s2 =	sld [smem:$0x3FC9]  }
0x91: {  	s19 =	sld [smem:$0x3FC8]  }
0x92: {  	s4 =	sld [smem:$0x3FD0];
	(tm) =	ssettm $0x1  }
0x93: {  	s5 =	sld [smem:$0x3FFB];
	_ =	sdelay $0x3  }
0x94: {  	_ =	strace s5  }
0x95: {  	s5 =	sld [smem:$0x3FFC];
	_ =	sdelay $0x3  }
0x96: {  	_ =	strace s5  }
0x97: {  	s5 =	sld [smem:$0x3FFD];
	_ =	sdelay $0x3  }
0x98: {  	_ =	strace s5  }
0x99: {  	_ =	strace $0x8FFFFFFF  }
0x9a: {  	s20 =	sld [smem:$0x3FDB];
	_ =	sdelay $0x1  }
0x9b: {  	s6 =	simm.s32 $_scs_section_size  }
0x9c: {  	s7 =	simm.s32 $_size__tile_overlayer_lowered;
	s8 =	simm.s32 $_tile_overlayer_lowered  }
0x9d: {  	s23 =	simm.s32 $0x1BFF;
	s22 =	sshll.u32 s8, $0x1;
	s5 =	sadd.s32 s6, s20  }
0x9e: {  	s9 =	simm.s32 $0x0;
	s21 =	sshll.u32 s7, $0x1;
	s7 =	sadd.s32 s22, s5  }
0x9f: {  	[timem:s9], [sflag:s23] =	dma.local [hbm:s7], s21  }
0xa0: {  	_ =	swait.ge [sflag:s23], s21  }
0xa1: {  	s6 =	ssub.s32 $0x0, s21;
	[sflag:s23] =	ssyncset.done $0x0  }
0xa2: {  	[sflag:s23] =	ssyncadd.s32 s6;
	_ =	sdelay $0x1  }
0xa3: {  	s24 =	simm.s32 $0x1B8B  }
0xa4: {  	_ =	swait.ge [sflag:s24], $0x1  }
0xa5: {  	[sflag:s24] =	ssyncset.done $0x0  }
0xa6: {  	s25 =	simm.s32 $0x1B8E;
	[sflag:s24] =	ssyncadd.s32 $0xFFFFFFFF  }
0xa7: {  	s26 =	simm.s32 $execute0_lowered;
	[smem:$0x3FD2] =	sst s25  }
0xa8: {  	s6 =	sshll.u32 s26, $0x1;
	_ =	strace $0x80000046;
	[dreg:$0x1] =	wrdreg $0xFFFFFFFF  }
0xa9: {  	s28 =	simm.s32 $_size_execute0_lowered;
	s5 =	sadd.s32 s5, s6;
	[dreg:$0x0] =	wrdreg $0x0  }
0xaa: {  	s6 =	sshll.u32 s28, $0x1;
	[dreg:$0x2] =	wrdreg s5  }
0xab: {  	[dreg:$0x3] =	wrdreg s6  }
0xac: {  	[dreg:$0x4] =	wrdreg $0xC0  }
0xad: {  	_ =	task [dreg:s9], $0x5FFFF  }
0xae: {  	[dreg:$0x1] =	wrdreg $0xFFFFFFFF  }
0xaf: {  	[dreg:$0x0] =	wrdreg $0x60  }
0xb0: {  	[dreg:$0x2] =	wrdreg s2  }
0xb1: {  	[dreg:$0x3] =	wrdreg s19  }
0xb2: {  	[dreg:$0x4] =	wrdreg s4  }
0xb3: {  	[dreg:$0x5] =	wrdreg $0x9  }
0xb4: {  	_ =	task.clear_ibuf [dreg:s9], $0x6FFFF;
	_ =	strace $0x90000046  }
0xb5: {  	s29 =	simm.s32 $0x9;
	_ =	strace $0x80000048  }
0xb6: {  	_ =	swait.ge [sflag:s29], $0x1  }
0xb7: {  	[sflag:s29] =	ssyncadd.s32 $0xFFFFFFFF  }
0xb8: {  	_ =	strace $0x90000048  }
0xb9: {  	_ =	sfence  }
0xba: {  	s30 =	sld [smem:$0x0];
	_ =	sdelay $0x2  }
0xbb: {  	s31 =	sshll.u32 s1, $0xD;
	s1 =	sshrl.u32 s1, $0x2  }
0xbc: {  	s3 =	sand.u32 $0x4000, s31;
	s1 =	sadd.s32 s1, s30  }
0xbd: {  	s0 =	sor.u32 s3, s0;
	s1 =	sshll.u32 s1, $0x11  }
0xbe: {  	s0 =	sor.u32 s1, s0  }
0xbf: {  	s0 =	sadd.s32 $0x8F2B, s0  }
0xc0: {  	[sflag:s0] =	ssyncadd.remote.s32 $0x1  }
0xc1: {  	_ =	sfence.sel $0xFFFF  }
0xc2: {  	[dreg:$0x0] =	wrdreg $0xFFFFFFFF;
	(pc) =	sbr.abs _section_cstart, $3  }
0xc3: {  	[dreg:$0x1] =	wrdreg $0xFFFFFFFF  }
0xc4: {  	_ =	task.clear_ibuf [dreg:s9], $0x2FFFF;
	_ =	strace $0x9FFFFFFF  }
0xc5: {  	(tm) =	ssettm $0x7FFFFFFF  }
tec
execute0_lowered:
.L_overlay_start_1:
0x0: {  	(tag) =	ssettag $0x1  }
0x1: {  	s0 =	rddreg [dreg:$0x0]  }
0x2: {  	s1 =	rddreg [dreg:$0x2];
	s3 =	simm.s32 $0x0  }
0x3: {  	s2 =	srdreg.scid;
	s5 =	stileid.u32;
	s21 =	simm.s32 $0xC000  }
0x4: {  	s28 =	simm.s32 $0x2;
	s29 =	simm.s32 $0x8000;
	s30 =	simm.s32 $0x3  }
0x5: {  	s31 =	simm.s32 $0xA000;
	[smem:$0x7FF] =	sst s3;
	s2 =	sand.u32 $0x1, s2  }
0x6: {  	s5 =	sshll.u32 s5, $0xE;
	s4 =	ssub.s32 $0x2, s2;
	s2 =	sshll.u32 s2, $0xD  }
0x7: {  	_ =	strace $0x80000047;
	s6 =	sshrl.u32 s4, $0x1;
	s2 =	sor.u32 s2, s5  }
0x8: {  	s4 =	ssub.s32 s4, s6;
	s5 =	sadd.s32 s0, s2;
	s22 =	sor.u32 $0x400, s2  }
0x9: {  	s24 =	sor.u32 $0x800, s2;
	s13 =	sor.u32 $0xC00, s2;
	s25 =	sor.u32 $0x1000, s2  }
0xa: {  	s17 =	sor.u32 $0x1400, s2;
	s26 =	sor.u32 $0x1800, s2;
	[dreg:$0x4] =	wrdreg s5  }
0xb: {  	s23 =	sadd.s32 s0, s22;
	s7 =	sadd.s32 s0, s24;
	s8 =	sadd.s32 s0, s13  }
0xc: {  	s9 =	sadd.s32 s1, s22;
	s10 =	sadd.s32 s0, s25;
	s11 =	sadd.s32 s1, s24  }
0xd: {  	s12 =	sadd.s32 s0, s17;
	s13 =	sadd.s32 s1, s13;
	s14 =	sadd.s32 s0, s26  }
0xe: {  	s15 =	sadd.s32 s1, s25;
	s17 =	sadd.s32 s1, s17;
	s18 =	sadd.s32 s1, s26  }
0xf: {  	s20 =	smax.u32 s4, $0x1;
	s22 =	simm.s32 $0x7;
	s25 =	simm.s32 $0x1  }
0x10: {  	s26 =	simm.s32 $0x6000;
	s4 =	simm.s32 $0x0;
	[dreg:$0x5] =	wrdreg s23  }
0x11: {  	[dreg:$0x6] =	wrdreg s7;
	s7 =	sadd.s32 s1, s2;
	s2 =	sor.u32 $0x1C00, s2  }
0x12: {  	s23 =	simm.s32 $0x2000;
	s16 =	sadd.s32 s0, s2;
	s19 =	sadd.s32 s1, s2  }
0x13: {  	s0 =	simm.s32 $0x4;
	s2 =	simm.s32 $0x5;
	s1 =	simm.s32 $0x6  }
.LBB2_1:
0x14: {  	s5 =	rddreg [dreg:$0x1]  }
0x15: {  	[tilespmem:s21], [sflag:$0x7] =	stream.linear.gather [hbm4b:s5+s3], $0x400, $0x38;
	[tilespmem:$0xC400] =	vst v63  }
0x16: {  	_ =	swait.ge [sflag:s22], $0x400  }
0x17: {  	[sflag:s22] =	ssyncset.done $0x0  }
0x18: {  	s24 =	rddreg [dreg:$0x4];
	[sflag:s22] =	ssyncadd.s32 $0xFFFFFC00  }
0x19: {  	[tilespmem:s3], [sflag:$0x1] =	stream.linear.gather [hbm4b:s24+s3], $0x2000, $0x38;
	[tilespmem:$0xC400] =	vst v63  }
0x1a: {  	s6 =	rddreg [dreg:$0x5]  }
0x1b: {  	[tilespmem:s23], [sflag:$0x2] =	stream.linear.gather [hbm4b:s6+s3], $0x2000, $0x38;
	[tilespmem:$0xC400] =	vst v63  }
0x1c: {  	s24 =	rddreg [dreg:$0x6];
	s6 =	simm.s32 $0x4000  }
0x1d: {  	[tilespmem:s6], [sflag:$0x3] =	stream.linear.gather [hbm4b:s24+s3], $0x2000, $0x38;
	[tilespmem:$0xC400] =	vst v63  }
0x1e: {  	_ =	swait.ge [sflag:s25], $0x2000  }
0x1f: {  	[sflag:s25] =	ssyncset.done $0x0  }
0x20: {  	s6 =	simm.s32 $0x40;
	[sflag:s25] =	ssyncadd.s32 $0xFFFFE000  }
0x21: {  	v0 =	vld [tilespmem:s6+$0x30]  }
0x22: {  	v1 =	vld [tilespmem:s6+$0xFFFFFFD0]  }
0x23: {  	v2 =	vld [tilespmem:s6+$0xFFFFFFE0]  }
0x24: {  	v3 =	vld [tilespmem:s6+$0xFFFFFFC0]  }
0x25: {  	v4 =	vld [tilespmem:s6+$0xFFFFFFF0]  }
0x26: {  	v5 =	vld [tilespmem:s6+$0x0]  }
0x27: {  	v6 =	vld [tilespmem:s6+$0x10]  }
0x28: {  	s24 =	simm.s32 $0xC0;
	v7 =	vld [tilespmem:s6+$0x20]  }
0x29: {  	v8 =	vld [tilespmem:s24+$0x30];
	v0 =	vmul.f32 $1.629746550e+02, v0;
	v1 =	vmul.f32 $1.629746550e+02, v1  }
0x2a: {  	v9 =	vld [tilespmem:s24+$0xFFFFFFD0];
	v2 =	vmul.f32 $1.629746550e+02, v2;
	v3 =	vmul.f32 $1.629746550e+02, v3  }
0x2b: {  	v4 =	vmul.f32 $1.629746550e+02, v4;
	v5 =	vmul.f32 $1.629746550e+02, v5;
	v0 =	vadd.f32 $-5.000000000e-01, v0  }
0x2c: {  	v6 =	vmul.f32 $1.629746550e+02, v6;
	v1 =	vadd.f32 $-5.000000000e-01, v1;
	v2 =	vadd.f32 $-5.000000000e-01, v2  }
0x2d: {  	v7 =	vmul.f32 $1.629746550e+02, v7;
	v3 =	vadd.f32 $-5.000000000e-01, v3;
	v4 =	vadd.f32 $-5.000000000e-01, v4  }
0x2e: {  	v10 =	vld [tilespmem:s24+$0xFFFFFFE0];
	v8 =	vmul.f32 $1.629746550e+02, v8;
	v5 =	vadd.f32 $-5.000000000e-01, v5;
	v0 =	vadd.f32 $1.258291200e+07, v0  }
0x2f: {  	v9 =	vmul.f32 $1.629746550e+02, v9;
	v6 =	vadd.f32 $-5.000000000e-01, v6;
	v3 =	vadd.f32 $1.258291200e+07, v3  }
0x30: {  	v12 =	vld [tilespmem:s24+$0x0];
	v7 =	vadd.f32 $-5.000000000e-01, v7;
	v1 =	vadd.f32 $1.258291200e+07, v1;
	v0 =	vand.u32 $0x3FF, v0  }
0x31: {  	v11 =	vld [tilespmem:s24+$0xFFFFFFF0];
	v2 =	vadd.f32 $1.258291200e+07, v2;
	v6 =	vadd.f32 $1.258291200e+07, v6;
	v3 =	vand.u32 $0x3FF, v3  }
0x32: {  	v13 =	vld [tilespmem:s24+$0x10];
	v4 =	vadd.f32 $1.258291200e+07, v4;
	v5 =	vadd.f32 $1.258291200e+07, v5;
	v1 =	vand.u32 $0x3FF, v1  }
0x33: {  	v14 =	vld [tilespmem:s24+$0x20];
	v2 =	vand.u32 $0x3FF, v2;
	v15 =	vand.u32 $0x3FF, v6;
	v6 =	vmul.f32 $1.629746550e+02, v10  }
0x34: {  	v16 =	vld [tilespmem:s24+$0xFFFFFFC0];
	v8 =	vadd.f32 $-5.000000000e-01, v8;
	v7 =	vadd.f32 $1.258291200e+07, v7;
	v4 =	vand.u32 $0x3FF, v4  }
0x35: {  	v5 =	vand.u32 $0x3FF, v5;
	v10 =	vadd.f32 $-5.000000000e-01, v6;
	v6 =	vmul.f32 $1.629746550e+02, v12;
	v0 =	vld.idx.msk [tilespmem:v0+s21+$0x0], $0xffff  }
0x36: {  	v17 =	vand.u32 $0x3FF, v7;
	v7 =	vadd.f32 $-5.000000000e-01, v9;
	v9 =	vmul.f32 $1.629746550e+02, v11;
	v18 =	vld.idx.msk [tilespmem:v3+s21+$0x0], $0xffff  }
0x37: {  	v8 =	vadd.f32 $1.258291200e+07, v8;
	v12 =	vadd.f32 $-5.000000000e-01, v6;
	v3 =	vld.idx.msk [tilespmem:v1+s21+$0x0], $0xffff  }
0x38: {  	v1 =	vadd.f32 $1.258291200e+07, v7;
	v7 =	vadd.f32 $-5.000000000e-01, v9;
	v9 =	vmul.f32 $1.629746550e+02, v13;
	v2 =	vld.idx.msk [tilespmem:v2+s21+$0x0], $0xffff  }
0x39: {  	v6 =	vand.u32 $0x3FF, v8;
	v13 =	vmul.f32 $1.629746550e+02, v14;
	v4 =	vld.idx.msk [tilespmem:v4+s21+$0x0], $0xffff;
	v14 =	vadd.f32 $1.258291200e+07, v10  }
0x3a: {  	s24 =	simm.s32 $0x6040;
	v8 =	vmul.f32 $1.629746550e+02, v16;
	v5 =	vld.idx.msk [tilespmem:v5+s21+$0x0], $0xffff;
	v12 =	vadd.f32 $1.258291200e+07, v12;
	v9 =	vadd.f32 $-5.000000000e-01, v9  }
0x3b: {  	v11 =	vadd.f32 $1.258291200e+07, v7;
	v10 =	vadd.f32 $-5.000000000e-01, v13;
	v7 =	vld.idx.msk [tilespmem:v15+s21+$0x0], $0xffff;
	[tilespmem:s24+$0x30] =	vst v0  }
0x3c: {  	s5 =	simm.s32 $0x8;
	s6 =	simm.s32 $0x140;
	v13 =	vadd.f32 $-5.000000000e-01, v8;
	v8 =	vld.idx.msk [tilespmem:v17+s21+$0x0], $0xffff;
	v0 =	vand.u32 $0x3FF, v1;
	v1 =	vand.u32 $0x3FF, v14;
	[tilespmem:s24+$0xFFFFFFC0] =	vst v18  }
.LBB2_2:
0x3d: {  	v14 =	vld [tilespmem:s6+$0x30];
	v11 =	vand.u32 $0x3FF, v11;
	v9 =	vadd.f32 $1.258291200e+07, v9;
	v10 =	vadd.f32 $1.258291200e+07, v10;
	[tilespmem:s24+$0xFFFFFFD0] =	vst v3  }
0x3e: {  	s5 =	sadd.s32 $0x8, s5;
	v3 =	vadd.f32 $1.258291200e+07, v13;
	v12 =	vand.u32 $0x3FF, v12;
	v6 =	vld.idx.msk [tilespmem:v6+s21+$0x0], $0xffff;
	[tilespmem:s24+$0xFFFFFFE0] =	vst v2  }
0x3f: {  	p0 =	slt.u32 s5, $0x1F8;
	v2 =	vld [tilespmem:s6+$0xFFFFFFD0];
	v13 =	vand.u32 $0x3FF, v9;
	v15 =	vand.u32 $0x3FF, v10;
	[tilespmem:s24+$0xFFFFFFF0] =	vst v4  }
0x40: {  	v4 =	vld [tilespmem:s6+$0xFFFFFFE0];
	v3 =	vand.u32 $0x3FF, v3;
	[tilespmem:s24+$0x0] =	vst v5  }
0x41: {  	v5 =	vld [tilespmem:s6+$0xFFFFFFF0];
	[tilespmem:s24+$0x10] =	vst v7  }
0x42: {  	v7 =	vld [tilespmem:s6+$0x0];
	[tilespmem:s24+$0x20] =	vst v8  }
0x43: {  	v9 =	vmul.f32 $1.629746550e+02, v14;
	s24 =	sadd.s32 $0x80, s24;
	v8 =	vld [tilespmem:s6+$0x10]  }
0x44: {  	v2 =	vmul.f32 $1.629746550e+02, v2;
	v10 =	vld [tilespmem:s6+$0x20];
	[tilespmem:s24+$0x30] =	vst v6  }
0x45: {  	v6 =	vadd.f32 $-5.000000000e-01, v9;
	v14 =	vld [tilespmem:s6+$0xFFFFFFC0];
	v4 =	vmul.f32 $1.629746550e+02, v4  }
0x46: {  	v2 =	vadd.f32 $-5.000000000e-01, v2;
	v5 =	vmul.f32 $1.629746550e+02, v5;
	v16 =	vld.idx.msk [tilespmem:v3+s21+$0x0], $0xffff  }
0x47: {  	v6 =	vadd.f32 $1.258291200e+07, v6;
	v9 =	vadd.f32 $-5.000000000e-01, v4;
	v4 =	vmul.f32 $1.629746550e+02, v7;
	v3 =	vld.idx.msk [tilespmem:v0+s21+$0x0], $0xffff  }
.Ltmp0:
0x48: {  	v0 =	vadd.f32 $1.258291200e+07, v2;
	v7 =	vadd.f32 $-5.000000000e-01, v5;
	v5 =	vmul.f32 $1.629746550e+02, v8;
	v2 =	vld.idx.msk [tilespmem:v1+s21+$0x0], $0xffff;
	(pc) =	sbr.rel @p0 .LBB2_2-.Ltmp0, $4  }
0x49: {  	v6 =	vand.u32 $0x3FF, v6;
	v8 =	vadd.f32 $-5.000000000e-01, v4;
	v1 =	vmul.f32 $1.629746550e+02, v10;
	v4 =	vld.idx.msk [tilespmem:v11+s21+$0x0], $0xffff  }
0x4a: {  	v17 =	vadd.f32 $1.258291200e+07, v9;
	v14 =	vmul.f32 $1.629746550e+02, v14;
	v9 =	vadd.f32 $-5.000000000e-01, v5;
	v5 =	vld.idx.msk [tilespmem:v12+s21+$0x0], $0xffff  }
0x4b: {  	v0 =	vand.u32 $0x3FF, v0;
	v11 =	vadd.f32 $1.258291200e+07, v7;
	v10 =	vadd.f32 $-5.000000000e-01, v1;
	v7 =	vld.idx.msk [tilespmem:v13+s21+$0x0], $0xffff  }
0x4c: {  	s6 =	sadd.s32 $0x80, s6;
	v1 =	vand.u32 $0x3FF, v17;
	v12 =	vadd.f32 $1.258291200e+07, v8;
	v13 =	vadd.f32 $-5.000000000e-01, v14;
	[tilespmem:s24+$0xFFFFFFC0] =	vst v16;
	v8 =	vld.idx.msk [tilespmem:v15+s21+$0x0], $0xffff  }
0x4d: {  	_ =	sdelay $0x2  }
0x4e: {  	v11 =	vand.u32 $0x3FF, v11;
	v9 =	vadd.f32 $1.258291200e+07, v9  }
0x4f: {  	[tilespmem:s24+$0xFFFFFFD0] =	vst v3;
	v3 =	vadd.f32 $1.258291200e+07, v10;
	v6 =	vld.idx.msk [tilespmem:v6+s21+$0x0], $0xffff;
	v10 =	vand.u32 $0x3FF, v12  }
0x50: {  	[tilespmem:s24+$0xFFFFFFE0] =	vst v2;
	v13 =	vadd.f32 $1.258291200e+07, v13;
	v2 =	vand.u32 $0x3FF, v9  }
0x51: {  	v0 =	vld.idx.msk [tilespmem:v0+s21+$0x0], $0xffff;
	[tilespmem:s24+$0xFFFFFFF0] =	vst v4;
	v3 =	vand.u32 $0x3FF, v3  }
0x52: {  	v1 =	vld.idx.msk [tilespmem:v1+s21+$0x0], $0xffff;
	[tilespmem:s24+$0x0] =	vst v5;
	v13 =	vand.u32 $0x3FF, v13  }
0x53: {  	s5 =	sadd.s32 $0x80, s24;
	[tilespmem:s24+$0x10] =	vst v7;
	v5 =	vld.idx.msk [tilespmem:v11+s21+$0x0], $0xffff  }
0x54: {  	[tilespmem:s5+$0x30] =	vst v6;
	v6 =	vld.idx.msk [tilespmem:v10+s21+$0x0], $0xffff  }
0x55: {  	[tilespmem:s24+$0x20] =	vst v8;
	v2 =	vld.idx.msk [tilespmem:v2+s21+$0x0], $0xffff  }
0x56: {  	[tilespmem:s5+$0xFFFFFFD0] =	vst v0;
	v3 =	vld.idx.msk [tilespmem:v3+s21+$0x0], $0xffff  }
0x57: {  	[tilespmem:s5+$0xFFFFFFE0] =	vst v1;
	v4 =	vld.idx.msk [tilespmem:v13+s21+$0x0], $0xffff  }
0x58: {  	[tilespmem:s5+$0xFFFFFFF0] =	vst v5  }
0x59: {  	[tilespmem:s5+$0x0] =	vst v6  }
0x5a: {  	[tilespmem:s5+$0x10] =	vst v2  }
0x5b: {  	[tilespmem:s5+$0x20] =	vst v3  }
0x5c: {  	[tilespmem:s5+$0xFFFFFFC0] =	vst v4  }
0x5d: {  	[hbm4b:s7+s3] =	stream.linear.scatter [tilespmem:s26], [sflag:$0x4], $0x2000, $0x38;
	[tilespmem:$0xC400] =	vst v63  }
0x5e: {  	_ = 	snop  }
0x5f: {  	[tilespmem:s3], [sflag:$0x1] =	stream.linear.gather [hbm4b:s8+s3], $0x2000, $0x38;
	[tilespmem:$0xC400] =	vst v63  }
0x60: {  	_ =	swait.ge [sflag:s28], $0x2000  }
0x61: {  	[sflag:s28] =	ssyncset.done $0x0  }
0x62: {  	s6 =	simm.s32 $0x2040;
	[sflag:s28] =	ssyncadd.s32 $0xFFFFE000  }
0x63: {  	v0 =	vld [tilespmem:s6+$0x30]  }
0x64: {  	v1 =	vld [tilespmem:s6+$0xFFFFFFD0]  }
0x65: {  	v2 =	vld [tilespmem:s6+$0xFFFFFFE0]  }
0x66: {  	v3 =	vld [tilespmem:s6+$0xFFFFFFC0]  }
0x67: {  	v4 =	vld [tilespmem:s6+$0xFFFFFFF0]  }
0x68: {  	v5 =	vld [tilespmem:s6+$0x0]  }
0x69: {  	v6 =	vld [tilespmem:s6+$0x10]  }
0x6a: {  	s24 =	simm.s32 $0x20C0;
	v7 =	vld [tilespmem:s6+$0x20]  }
0x6b: {  	v8 =	vld [tilespmem:s24+$0x30];
	v0 =	vmul.f32 $1.629746550e+02, v0;
	v1 =	vmul.f32 $1.629746550e+02, v1  }
0x6c: {  	v9 =	vld [tilespmem:s24+$0xFFFFFFD0];
	v2 =	vmul.f32 $1.629746550e+02, v2;
	v3 =	vmul.f32 $1.629746550e+02, v3  }
0x6d: {  	v4 =	vmul.f32 $1.629746550e+02, v4;
	v5 =	vmul.f32 $1.629746550e+02, v5;
	v0 =	vadd.f32 $-5.000000000e-01, v0  }
0x6e: {  	v6 =	vmul.f32 $1.629746550e+02, v6;
	v1 =	vadd.f32 $-5.000000000e-01, v1;
	v2 =	vadd.f32 $-5.000000000e-01, v2  }
0x6f: {  	v7 =	vmul.f32 $1.629746550e+02, v7;
	v3 =	vadd.f32 $-5.000000000e-01, v3;
	v4 =	vadd.f32 $-5.000000000e-01, v4  }
0x70: {  	v10 =	vld [tilespmem:s24+$0xFFFFFFE0];
	v8 =	vmul.f32 $1.629746550e+02, v8;
	v5 =	vadd.f32 $-5.000000000e-01, v5;
	v0 =	vadd.f32 $1.258291200e+07, v0  }
0x71: {  	v9 =	vmul.f32 $1.629746550e+02, v9;
	v6 =	vadd.f32 $-5.000000000e-01, v6;
	v3 =	vadd.f32 $1.258291200e+07, v3  }
0x72: {  	v12 =	vld [tilespmem:s24+$0x0];
	v7 =	vadd.f32 $-5.000000000e-01, v7;
	v1 =	vadd.f32 $1.258291200e+07, v1;
	v0 =	vand.u32 $0x3FF, v0  }
0x73: {  	v11 =	vld [tilespmem:s24+$0xFFFFFFF0];
	v2 =	vadd.f32 $1.258291200e+07, v2;
	v6 =	vadd.f32 $1.258291200e+07, v6;
	v3 =	vand.u32 $0x3FF, v3  }
0x74: {  	v13 =	vld [tilespmem:s24+$0x10];
	v4 =	vadd.f32 $1.258291200e+07, v4;
	v5 =	vadd.f32 $1.258291200e+07, v5;
	v1 =	vand.u32 $0x3FF, v1  }
0x75: {  	v14 =	vld [tilespmem:s24+$0x20];
	v2 =	vand.u32 $0x3FF, v2;
	v15 =	vand.u32 $0x3FF, v6;
	v6 =	vmul.f32 $1.629746550e+02, v10  }
0x76: {  	v16 =	vld [tilespmem:s24+$0xFFFFFFC0];
	v8 =	vadd.f32 $-5.000000000e-01, v8;
	v7 =	vadd.f32 $1.258291200e+07, v7;
	v4 =	vand.u32 $0x3FF, v4  }
0x77: {  	v5 =	vand.u32 $0x3FF, v5;
	v10 =	vadd.f32 $-5.000000000e-01, v6;
	v6 =	vmul.f32 $1.629746550e+02, v12;
	v0 =	vld.idx.msk [tilespmem:v0+s21+$0x0], $0xffff  }
0x78: {  	v17 =	vand.u32 $0x3FF, v7;
	v7 =	vadd.f32 $-5.000000000e-01, v9;
	v9 =	vmul.f32 $1.629746550e+02, v11;
	v18 =	vld.idx.msk [tilespmem:v3+s21+$0x0], $0xffff  }
0x79: {  	v8 =	vadd.f32 $1.258291200e+07, v8;
	v12 =	vadd.f32 $-5.000000000e-01, v6;
	v3 =	vld.idx.msk [tilespmem:v1+s21+$0x0], $0xffff  }
0x7a: {  	v1 =	vadd.f32 $1.258291200e+07, v7;
	v7 =	vadd.f32 $-5.000000000e-01, v9;
	v9 =	vmul.f32 $1.629746550e+02, v13;
	v2 =	vld.idx.msk [tilespmem:v2+s21+$0x0], $0xffff  }
0x7b: {  	v6 =	vand.u32 $0x3FF, v8;
	v13 =	vmul.f32 $1.629746550e+02, v14;
	v4 =	vld.idx.msk [tilespmem:v4+s21+$0x0], $0xffff;
	v14 =	vadd.f32 $1.258291200e+07, v10  }
0x7c: {  	s24 =	simm.s32 $0x8040;
	v8 =	vmul.f32 $1.629746550e+02, v16;
	v5 =	vld.idx.msk [tilespmem:v5+s21+$0x0], $0xffff;
	v12 =	vadd.f32 $1.258291200e+07, v12;
	v9 =	vadd.f32 $-5.000000000e-01, v9  }
0x7d: {  	v11 =	vadd.f32 $1.258291200e+07, v7;
	v10 =	vadd.f32 $-5.000000000e-01, v13;
	v7 =	vld.idx.msk [tilespmem:v15+s21+$0x0], $0xffff;
	[tilespmem:s24+$0x30] =	vst v0  }
0x7e: {  	s5 =	simm.s32 $0x8;
	s6 =	simm.s32 $0x2140;
	v13 =	vadd.f32 $-5.000000000e-01, v8;
	v8 =	vld.idx.msk [tilespmem:v17+s21+$0x0], $0xffff;
	v0 =	vand.u32 $0x3FF, v1;
	v1 =	vand.u32 $0x3FF, v14;
	[tilespmem:s24+$0xFFFFFFC0] =	vst v18  }
.LBB2_4:
0x7f: {  	v14 =	vld [tilespmem:s6+$0x30];
	v11 =	vand.u32 $0x3FF, v11;
	v9 =	vadd.f32 $1.258291200e+07, v9;
	v10 =	vadd.f32 $1.258291200e+07, v10;
	[tilespmem:s24+$0xFFFFFFD0] =	vst v3  }
0x80: {  	s5 =	sadd.s32 $0x8, s5;
	v3 =	vadd.f32 $1.258291200e+07, v13;
	v12 =	vand.u32 $0x3FF, v12;
	v6 =	vld.idx.msk [tilespmem:v6+s21+$0x0], $0xffff;
	[tilespmem:s24+$0xFFFFFFE0] =	vst v2  }
0x81: {  	p0 =	slt.u32 s5, $0x1F8;
	v2 =	vld [tilespmem:s6+$0xFFFFFFD0];
	v13 =	vand.u32 $0x3FF, v9;
	v15 =	vand.u32 $0x3FF, v10;
	[tilespmem:s24+$0xFFFFFFF0] =	vst v4  }
0x82: {  	v4 =	vld [tilespmem:s6+$0xFFFFFFE0];
	v3 =	vand.u32 $0x3FF, v3;
	[tilespmem:s24+$0x0] =	vst v5  }
0x83: {  	v5 =	vld [tilespmem:s6+$0xFFFFFFF0];
	[tilespmem:s24+$0x10] =	vst v7  }
0x84: {  	v7 =	vld [tilespmem:s6+$0x0];
	[tilespmem:s24+$0x20] =	vst v8  }
0x85: {  	v9 =	vmul.f32 $1.629746550e+02, v14;
	s24 =	sadd.s32 $0x80, s24;
	v8 =	vld [tilespmem:s6+$0x10]  }
0x86: {  	v2 =	vmul.f32 $1.629746550e+02, v2;
	v10 =	vld [tilespmem:s6+$0x20];
	[tilespmem:s24+$0x30] =	vst v6  }
0x87: {  	v6 =	vadd.f32 $-5.000000000e-01, v9;
	v14 =	vld [tilespmem:s6+$0xFFFFFFC0];
	v4 =	vmul.f32 $1.629746550e+02, v4  }
0x88: {  	v2 =	vadd.f32 $-5.000000000e-01, v2;
	v5 =	vmul.f32 $1.629746550e+02, v5;
	v16 =	vld.idx.msk [tilespmem:v3+s21+$0x0], $0xffff  }
0x89: {  	v6 =	vadd.f32 $1.258291200e+07, v6;
	v9 =	vadd.f32 $-5.000000000e-01, v4;
	v4 =	vmul.f32 $1.629746550e+02, v7;
	v3 =	vld.idx.msk [tilespmem:v0+s21+$0x0], $0xffff  }
.Ltmp1:
0x8a: {  	v0 =	vadd.f32 $1.258291200e+07, v2;
	v7 =	vadd.f32 $-5.000000000e-01, v5;
	v5 =	vmul.f32 $1.629746550e+02, v8;
	v2 =	vld.idx.msk [tilespmem:v1+s21+$0x0], $0xffff;
	(pc) =	sbr.rel @p0 .LBB2_4-.Ltmp1, $4  }
0x8b: {  	v6 =	vand.u32 $0x3FF, v6;
	v8 =	vadd.f32 $-5.000000000e-01, v4;
	v1 =	vmul.f32 $1.629746550e+02, v10;
	v4 =	vld.idx.msk [tilespmem:v11+s21+$0x0], $0xffff  }
0x8c: {  	v17 =	vadd.f32 $1.258291200e+07, v9;
	v14 =	vmul.f32 $1.629746550e+02, v14;
	v9 =	vadd.f32 $-5.000000000e-01, v5;
	v5 =	vld.idx.msk [tilespmem:v12+s21+$0x0], $0xffff  }
0x8d: {  	v0 =	vand.u32 $0x3FF, v0;
	v11 =	vadd.f32 $1.258291200e+07, v7;
	v10 =	vadd.f32 $-5.000000000e-01, v1;
	v7 =	vld.idx.msk [tilespmem:v13+s21+$0x0], $0xffff  }
0x8e: {  	s6 =	sadd.s32 $0x80, s6;
	v1 =	vand.u32 $0x3FF, v17;
	v12 =	vadd.f32 $1.258291200e+07, v8;
	v13 =	vadd.f32 $-5.000000000e-01, v14;
	[tilespmem:s24+$0xFFFFFFC0] =	vst v16;
	v8 =	vld.idx.msk [tilespmem:v15+s21+$0x0], $0xffff  }
0x8f: {  	_ =	sdelay $0x2  }
0x90: {  	v11 =	vand.u32 $0x3FF, v11;
	v9 =	vadd.f32 $1.258291200e+07, v9  }
0x91: {  	[tilespmem:s24+$0xFFFFFFD0] =	vst v3;
	v3 =	vadd.f32 $1.258291200e+07, v10;
	v6 =	vld.idx.msk [tilespmem:v6+s21+$0x0], $0xffff;
	v10 =	vand.u32 $0x3FF, v12  }
0x92: {  	[tilespmem:s24+$0xFFFFFFE0] =	vst v2;
	v13 =	vadd.f32 $1.258291200e+07, v13;
	v2 =	vand.u32 $0x3FF, v9  }
0x93: {  	v0 =	vld.idx.msk [tilespmem:v0+s21+$0x0], $0xffff;
	[tilespmem:s24+$0xFFFFFFF0] =	vst v4;
	v3 =	vand.u32 $0x3FF, v3  }
0x94: {  	v1 =	vld.idx.msk [tilespmem:v1+s21+$0x0], $0xffff;
	[tilespmem:s24+$0x0] =	vst v5;
	v13 =	vand.u32 $0x3FF, v13  }
0x95: {  	s5 =	sadd.s32 $0x80, s24;
	[tilespmem:s24+$0x10] =	vst v7;
	v5 =	vld.idx.msk [tilespmem:v11+s21+$0x0], $0xffff  }
0x96: {  	[tilespmem:s5+$0x30] =	vst v6;
	v6 =	vld.idx.msk [tilespmem:v10+s21+$0x0], $0xffff  }
0x97: {  	[tilespmem:s24+$0x20] =	vst v8;
	v2 =	vld.idx.msk [tilespmem:v2+s21+$0x0], $0xffff  }
0x98: {  	[tilespmem:s5+$0xFFFFFFD0] =	vst v0;
	v3 =	vld.idx.msk [tilespmem:v3+s21+$0x0], $0xffff  }
0x99: {  	[tilespmem:s5+$0xFFFFFFE0] =	vst v1;
	v4 =	vld.idx.msk [tilespmem:v13+s21+$0x0], $0xffff  }
0x9a: {  	[tilespmem:s5+$0xFFFFFFF0] =	vst v5  }
0x9b: {  	[tilespmem:s5+$0x0] =	vst v6  }
0x9c: {  	[tilespmem:s5+$0x10] =	vst v2  }
0x9d: {  	[tilespmem:s5+$0x20] =	vst v3  }
0x9e: {  	[tilespmem:s5+$0xFFFFFFC0] =	vst v4  }
0x9f: {  	[hbm4b:s9+s3] =	stream.linear.scatter [tilespmem:s29], [sflag:$0x5], $0x2000, $0x38;
	[tilespmem:$0xC400] =	vst v63  }
0xa0: {  	_ = 	snop  }
0xa1: {  	[tilespmem:s23], [sflag:$0x2] =	stream.linear.gather [hbm4b:s10+s3], $0x2000, $0x38;
	[tilespmem:$0xC400] =	vst v63  }
0xa2: {  	_ =	swait.ge [sflag:s30], $0x2000  }
0xa3: {  	[sflag:s30] =	ssyncset.done $0x0  }
0xa4: {  	s6 =	simm.s32 $0x4040;
	[sflag:s30] =	ssyncadd.s32 $0xFFFFE000  }
0xa5: {  	v0 =	vld [tilespmem:s6+$0x30]  }
0xa6: {  	v1 =	vld [tilespmem:s6+$0xFFFFFFD0]  }
0xa7: {  	v2 =	vld [tilespmem:s6+$0xFFFFFFE0]  }
0xa8: {  	v3 =	vld [tilespmem:s6+$0xFFFFFFC0]  }
0xa9: {  	v4 =	vld [tilespmem:s6+$0xFFFFFFF0]  }
0xaa: {  	v5 =	vld [tilespmem:s6+$0x0]  }
0xab: {  	v6 =	vld [tilespmem:s6+$0x10]  }
0xac: {  	s24 =	simm.s32 $0x40C0;
	v7 =	vld [tilespmem:s6+$0x20]  }
0xad: {  	v8 =	vld [tilespmem:s24+$0x30];
	v0 =	vmul.f32 $1.629746550e+02, v0;
	v1 =	vmul.f32 $1.629746550e+02, v1  }
0xae: {  	v9 =	vld [tilespmem:s24+$0xFFFFFFD0];
	v2 =	vmul.f32 $1.629746550e+02, v2;
	v3 =	vmul.f32 $1.629746550e+02, v3  }
0xaf: {  	v4 =	vmul.f32 $1.629746550e+02, v4;
	v5 =	vmul.f32 $1.629746550e+02, v5;
	v0 =	vadd.f32 $-5.000000000e-01, v0  }
0xb0: {  	v6 =	vmul.f32 $1.629746550e+02, v6;
	v1 =	vadd.f32 $-5.000000000e-01, v1;
	v2 =	vadd.f32 $-5.000000000e-01, v2  }
0xb1: {  	v7 =	vmul.f32 $1.629746550e+02, v7;
	v3 =	vadd.f32 $-5.000000000e-01, v3;
	v4 =	vadd.f32 $-5.000000000e-01, v4  }
0xb2: {  	v10 =	vld [tilespmem:s24+$0xFFFFFFE0];
	v8 =	vmul.f32 $1.629746550e+02, v8;
	v5 =	vadd.f32 $-5.000000000e-01, v5;
	v0 =	vadd.f32 $1.258291200e+07, v0  }
0xb3: {  	v9 =	vmul.f32 $1.629746550e+02, v9;
	v6 =	vadd.f32 $-5.000000000e-01, v6;
	v3 =	vadd.f32 $1.258291200e+07, v3  }
0xb4: {  	v12 =	vld [tilespmem:s24+$0x0];
	v7 =	vadd.f32 $-5.000000000e-01, v7;
	v1 =	vadd.f32 $1.258291200e+07, v1;
	v0 =	vand.u32 $0x3FF, v0  }
0xb5: {  	v11 =	vld [tilespmem:s24+$0xFFFFFFF0];
	v2 =	vadd.f32 $1.258291200e+07, v2;
	v6 =	vadd.f32 $1.258291200e+07, v6;
	v3 =	vand.u32 $0x3FF, v3  }
0xb6: {  	v13 =	vld [tilespmem:s24+$0x10];
	v4 =	vadd.f32 $1.258291200e+07, v4;
	v5 =	vadd.f32 $1.258291200e+07, v5;
	v1 =	vand.u32 $0x3FF, v1  }
0xb7: {  	v14 =	vld [tilespmem:s24+$0x20];
	v2 =	vand.u32 $0x3FF, v2;
	v15 =	vand.u32 $0x3FF, v6;
	v6 =	vmul.f32 $1.629746550e+02, v10  }
0xb8: {  	v16 =	vld [tilespmem:s24+$0xFFFFFFC0];
	v8 =	vadd.f32 $-5.000000000e-01, v8;
	v7 =	vadd.f32 $1.258291200e+07, v7;
	v4 =	vand.u32 $0x3FF, v4  }
0xb9: {  	v5 =	vand.u32 $0x3FF, v5;
	v10 =	vadd.f32 $-5.000000000e-01, v6;
	v6 =	vmul.f32 $1.629746550e+02, v12;
	v0 =	vld.idx.msk [tilespmem:v0+s21+$0x0], $0xffff  }
0xba: {  	v17 =	vand.u32 $0x3FF, v7;
	v7 =	vadd.f32 $-5.000000000e-01, v9;
	v9 =	vmul.f32 $1.629746550e+02, v11;
	v18 =	vld.idx.msk [tilespmem:v3+s21+$0x0], $0xffff  }
0xbb: {  	v8 =	vadd.f32 $1.258291200e+07, v8;
	v12 =	vadd.f32 $-5.000000000e-01, v6;
	v3 =	vld.idx.msk [tilespmem:v1+s21+$0x0], $0xffff  }
0xbc: {  	v1 =	vadd.f32 $1.258291200e+07, v7;
	v7 =	vadd.f32 $-5.000000000e-01, v9;
	v9 =	vmul.f32 $1.629746550e+02, v13;
	v2 =	vld.idx.msk [tilespmem:v2+s21+$0x0], $0xffff  }
0xbd: {  	v6 =	vand.u32 $0x3FF, v8;
	v13 =	vmul.f32 $1.629746550e+02, v14;
	v4 =	vld.idx.msk [tilespmem:v4+s21+$0x0], $0xffff;
	v14 =	vadd.f32 $1.258291200e+07, v10  }
0xbe: {  	s24 =	simm.s32 $0xA040;
	v8 =	vmul.f32 $1.629746550e+02, v16;
	v5 =	vld.idx.msk [tilespmem:v5+s21+$0x0], $0xffff;
	v12 =	vadd.f32 $1.258291200e+07, v12;
	v9 =	vadd.f32 $-5.000000000e-01, v9  }
0xbf: {  	v11 =	vadd.f32 $1.258291200e+07, v7;
	v10 =	vadd.f32 $-5.000000000e-01, v13;
	v7 =	vld.idx.msk [tilespmem:v15+s21+$0x0], $0xffff;
	[tilespmem:s24+$0x30] =	vst v0  }
0xc0: {  	s5 =	simm.s32 $0x8;
	s6 =	simm.s32 $0x4140;
	v13 =	vadd.f32 $-5.000000000e-01, v8;
	v8 =	vld.idx.msk [tilespmem:v17+s21+$0x0], $0xffff;
	v0 =	vand.u32 $0x3FF, v1;
	v1 =	vand.u32 $0x3FF, v14;
	[tilespmem:s24+$0xFFFFFFC0] =	vst v18  }
.LBB2_6:
0xc1: {  	v14 =	vld [tilespmem:s6+$0x30];
	v11 =	vand.u32 $0x3FF, v11;
	v9 =	vadd.f32 $1.258291200e+07, v9;
	v10 =	vadd.f32 $1.258291200e+07, v10;
	[tilespmem:s24+$0xFFFFFFD0] =	vst v3  }
0xc2: {  	s5 =	sadd.s32 $0x8, s5;
	v3 =	vadd.f32 $1.258291200e+07, v13;
	v12 =	vand.u32 $0x3FF, v12;
	v6 =	vld.idx.msk [tilespmem:v6+s21+$0x0], $0xffff;
	[tilespmem:s24+$0xFFFFFFE0] =	vst v2  }
0xc3: {  	p0 =	slt.u32 s5, $0x1F8;
	v2 =	vld [tilespmem:s6+$0xFFFFFFD0];
	v13 =	vand.u32 $0x3FF, v9;
	v15 =	vand.u32 $0x3FF, v10;
	[tilespmem:s24+$0xFFFFFFF0] =	vst v4  }
0xc4: {  	v4 =	vld [tilespmem:s6+$0xFFFFFFE0];
	v3 =	vand.u32 $0x3FF, v3;
	[tilespmem:s24+$0x0] =	vst v5  }
0xc5: {  	v5 =	vld [tilespmem:s6+$0xFFFFFFF0];
	[tilespmem:s24+$0x10] =	vst v7  }
0xc6: {  	v7 =	vld [tilespmem:s6+$0x0];
	[tilespmem:s24+$0x20] =	vst v8  }
0xc7: {  	v9 =	vmul.f32 $1.629746550e+02, v14;
	s24 =	sadd.s32 $0x80, s24;
	v8 =	vld [tilespmem:s6+$0x10]  }
0xc8: {  	v2 =	vmul.f32 $1.629746550e+02, v2;
	v10 =	vld [tilespmem:s6+$0x20];
	[tilespmem:s24+$0x30] =	vst v6  }
0xc9: {  	v6 =	vadd.f32 $-5.000000000e-01, v9;
	v14 =	vld [tilespmem:s6+$0xFFFFFFC0];
	v4 =	vmul.f32 $1.629746550e+02, v4  }
0xca: {  	v2 =	vadd.f32 $-5.000000000e-01, v2;
	v5 =	vmul.f32 $1.629746550e+02, v5;
	v16 =	vld.idx.msk [tilespmem:v3+s21+$0x0], $0xffff  }
0xcb: {  	v6 =	vadd.f32 $1.258291200e+07, v6;
	v9 =	vadd.f32 $-5.000000000e-01, v4;
	v4 =	vmul.f32 $1.629746550e+02, v7;
	v3 =	vld.idx.msk [tilespmem:v0+s21+$0x0], $0xffff  }
.Ltmp2:
0xcc: {  	v0 =	vadd.f32 $1.258291200e+07, v2;
	v7 =	vadd.f32 $-5.000000000e-01, v5;
	v5 =	vmul.f32 $1.629746550e+02, v8;
	v2 =	vld.idx.msk [tilespmem:v1+s21+$0x0], $0xffff;
	(pc) =	sbr.rel @p0 .LBB2_6-.Ltmp2, $4  }
0xcd: {  	v6 =	vand.u32 $0x3FF, v6;
	v8 =	vadd.f32 $-5.000000000e-01, v4;
	v1 =	vmul.f32 $1.629746550e+02, v10;
	v4 =	vld.idx.msk [tilespmem:v11+s21+$0x0], $0xffff  }
0xce: {  	v17 =	vadd.f32 $1.258291200e+07, v9;
	v14 =	vmul.f32 $1.629746550e+02, v14;
	v9 =	vadd.f32 $-5.000000000e-01, v5;
	v5 =	vld.idx.msk [tilespmem:v12+s21+$0x0], $0xffff  }
0xcf: {  	v0 =	vand.u32 $0x3FF, v0;
	v11 =	vadd.f32 $1.258291200e+07, v7;
	v10 =	vadd.f32 $-5.000000000e-01, v1;
	v7 =	vld.idx.msk [tilespmem:v13+s21+$0x0], $0xffff  }
0xd0: {  	s6 =	sadd.s32 $0x80, s6;
	v1 =	vand.u32 $0x3FF, v17;
	v12 =	vadd.f32 $1.258291200e+07, v8;
	v13 =	vadd.f32 $-5.000000000e-01, v14;
	[tilespmem:s24+$0xFFFFFFC0] =	vst v16;
	v8 =	vld.idx.msk [tilespmem:v15+s21+$0x0], $0xffff  }
0xd1: {  	_ =	sdelay $0x2  }
0xd2: {  	v11 =	vand.u32 $0x3FF, v11;
	v9 =	vadd.f32 $1.258291200e+07, v9  }
0xd3: {  	[tilespmem:s24+$0xFFFFFFD0] =	vst v3;
	v3 =	vadd.f32 $1.258291200e+07, v10;
	v6 =	vld.idx.msk [tilespmem:v6+s21+$0x0], $0xffff;
	v10 =	vand.u32 $0x3FF, v12  }
0xd4: {  	[tilespmem:s24+$0xFFFFFFE0] =	vst v2;
	v13 =	vadd.f32 $1.258291200e+07, v13;
	v2 =	vand.u32 $0x3FF, v9  }
0xd5: {  	v0 =	vld.idx.msk [tilespmem:v0+s21+$0x0], $0xffff;
	[tilespmem:s24+$0xFFFFFFF0] =	vst v4;
	v3 =	vand.u32 $0x3FF, v3  }
0xd6: {  	v1 =	vld.idx.msk [tilespmem:v1+s21+$0x0], $0xffff;
	[tilespmem:s24+$0x0] =	vst v5;
	v13 =	vand.u32 $0x3FF, v13  }
0xd7: {  	s5 =	sadd.s32 $0x80, s24;
	[tilespmem:s24+$0x10] =	vst v7;
	v5 =	vld.idx.msk [tilespmem:v11+s21+$0x0], $0xffff  }
0xd8: {  	[tilespmem:s5+$0x30] =	vst v6;
	v6 =	vld.idx.msk [tilespmem:v10+s21+$0x0], $0xffff  }
0xd9: {  	[tilespmem:s24+$0x20] =	vst v8;
	v2 =	vld.idx.msk [tilespmem:v2+s21+$0x0], $0xffff  }
0xda: {  	[tilespmem:s5+$0xFFFFFFD0] =	vst v0;
	v3 =	vld.idx.msk [tilespmem:v3+s21+$0x0], $0xffff  }
0xdb: {  	[tilespmem:s5+$0xFFFFFFE0] =	vst v1;
	v4 =	vld.idx.msk [tilespmem:v13+s21+$0x0], $0xffff  }
0xdc: {  	[tilespmem:s5+$0xFFFFFFF0] =	vst v5  }
0xdd: {  	[tilespmem:s5+$0x0] =	vst v6  }
0xde: {  	[tilespmem:s5+$0x10] =	vst v2  }
0xdf: {  	[tilespmem:s5+$0x20] =	vst v3  }
0xe0: {  	[tilespmem:s5+$0xFFFFFFC0] =	vst v4  }
0xe1: {  	[hbm4b:s11+s3] =	stream.linear.scatter [tilespmem:s31], [sflag:$0x6], $0x2000, $0x38;
	[tilespmem:$0xC400] =	vst v63  }
0xe2: {  	s24 =	simm.s32 $0x4000  }
0xe3: {  	[tilespmem:s24], [sflag:$0x3] =	stream.linear.gather [hbm4b:s12+s3], $0x2000, $0x38;
	[tilespmem:$0xC400] =	vst v63  }
0xe4: {  	_ =	swait.ge [sflag:s25], $0x2000  }
0xe5: {  	[sflag:s25] =	ssyncset.done $0x0  }
0xe6: {  	[sflag:s25] =	ssyncadd.s32 $0xFFFFE000  }
0xe7: {  	_ =	swait.ge [sflag:s0], $0x2000  }
0xe8: {  	[sflag:s0] =	ssyncset.done $0x0  }
0xe9: {  	s6 =	simm.s32 $0x40;
	[sflag:s0] =	ssyncadd.s32 $0xFFFFE000  }
0xea: {  	v0 =	vld [tilespmem:s6+$0x30]  }
0xeb: {  	v1 =	vld [tilespmem:s6+$0xFFFFFFD0]  }
0xec: {  	v2 =	vld [tilespmem:s6+$0xFFFFFFE0]  }
0xed: {  	v3 =	vld [tilespmem:s6+$0xFFFFFFC0]  }
0xee: {  	v4 =	vld [tilespmem:s6+$0xFFFFFFF0]  }
0xef: {  	v5 =	vld [tilespmem:s6+$0x0]  }
0xf0: {  	v6 =	vld [tilespmem:s6+$0x10]  }
0xf1: {  	s24 =	simm.s32 $0xC0;
	v7 =	vld [tilespmem:s6+$0x20]  }
0xf2: {  	v8 =	vld [tilespmem:s24+$0x30];
	v0 =	vmul.f32 $1.629746550e+02, v0;
	v1 =	vmul.f32 $1.629746550e+02, v1  }
0xf3: {  	v9 =	vld [tilespmem:s24+$0xFFFFFFD0];
	v2 =	vmul.f32 $1.629746550e+02, v2;
	v3 =	vmul.f32 $1.629746550e+02, v3  }
0xf4: {  	v4 =	vmul.f32 $1.629746550e+02, v4;
	v5 =	vmul.f32 $1.629746550e+02, v5;
	v0 =	vadd.f32 $-5.000000000e-01, v0  }
0xf5: {  	v6 =	vmul.f32 $1.629746550e+02, v6;
	v1 =	vadd.f32 $-5.000000000e-01, v1;
	v2 =	vadd.f32 $-5.000000000e-01, v2  }
0xf6: {  	v7 =	vmul.f32 $1.629746550e+02, v7;
	v3 =	vadd.f32 $-5.000000000e-01, v3;
	v4 =	vadd.f32 $-5.000000000e-01, v4  }
0xf7: {  	v10 =	vld [tilespmem:s24+$0xFFFFFFE0];
	v8 =	vmul.f32 $1.629746550e+02, v8;
	v5 =	vadd.f32 $-5.000000000e-01, v5;
	v0 =	vadd.f32 $1.258291200e+07, v0  }
0xf8: {  	v9 =	vmul.f32 $1.629746550e+02, v9;
	v6 =	vadd.f32 $-5.000000000e-01, v6;
	v3 =	vadd.f32 $1.258291200e+07, v3  }
0xf9: {  	v12 =	vld [tilespmem:s24+$0x0];
	v7 =	vadd.f32 $-5.000000000e-01, v7;
	v1 =	vadd.f32 $1.258291200e+07, v1;
	v0 =	vand.u32 $0x3FF, v0  }
0xfa: {  	v11 =	vld [tilespmem:s24+$0xFFFFFFF0];
	v2 =	vadd.f32 $1.258291200e+07, v2;
	v6 =	vadd.f32 $1.258291200e+07, v6;
	v3 =	vand.u32 $0x3FF, v3  }
0xfb: {  	v13 =	vld [tilespmem:s24+$0x10];
	v4 =	vadd.f32 $1.258291200e+07, v4;
	v5 =	vadd.f32 $1.258291200e+07, v5;
	v1 =	vand.u32 $0x3FF, v1  }
0xfc: {  	v14 =	vld [tilespmem:s24+$0x20];
	v2 =	vand.u32 $0x3FF, v2;
	v15 =	vand.u32 $0x3FF, v6;
	v6 =	vmul.f32 $1.629746550e+02, v10  }
0xfd: {  	v16 =	vld [tilespmem:s24+$0xFFFFFFC0];
	v8 =	vadd.f32 $-5.000000000e-01, v8;
	v7 =	vadd.f32 $1.258291200e+07, v7;
	v4 =	vand.u32 $0x3FF, v4  }
0xfe: {  	v5 =	vand.u32 $0x3FF, v5;
	v10 =	vadd.f32 $-5.000000000e-01, v6;
	v6 =	vmul.f32 $1.629746550e+02, v12;
	v0 =	vld.idx.msk [tilespmem:v0+s21+$0x0], $0xffff  }
0xff: {  	v17 =	vand.u32 $0x3FF, v7;
	v7 =	vadd.f32 $-5.000000000e-01, v9;
	v9 =	vmul.f32 $1.629746550e+02, v11;
	v18 =	vld.idx.msk [tilespmem:v3+s21+$0x0], $0xffff  }
0x100: {  	v8 =	vadd.f32 $1.258291200e+07, v8;
	v12 =	vadd.f32 $-5.000000000e-01, v6;
	v3 =	vld.idx.msk [tilespmem:v1+s21+$0x0], $0xffff  }
0x101: {  	v1 =	vadd.f32 $1.258291200e+07, v7;
	v7 =	vadd.f32 $-5.000000000e-01, v9;
	v9 =	vmul.f32 $1.629746550e+02, v13;
	v2 =	vld.idx.msk [tilespmem:v2+s21+$0x0], $0xffff  }
0x102: {  	v6 =	vand.u32 $0x3FF, v8;
	v13 =	vmul.f32 $1.629746550e+02, v14;
	v4 =	vld.idx.msk [tilespmem:v4+s21+$0x0], $0xffff;
	v14 =	vadd.f32 $1.258291200e+07, v10  }
0x103: {  	s24 =	simm.s32 $0x6040;
	v8 =	vmul.f32 $1.629746550e+02, v16;
	v5 =	vld.idx.msk [tilespmem:v5+s21+$0x0], $0xffff;
	v12 =	vadd.f32 $1.258291200e+07, v12;
	v9 =	vadd.f32 $-5.000000000e-01, v9  }
0x104: {  	v11 =	vadd.f32 $1.258291200e+07, v7;
	v10 =	vadd.f32 $-5.000000000e-01, v13;
	v7 =	vld.idx.msk [tilespmem:v15+s21+$0x0], $0xffff;
	[tilespmem:s24+$0x30] =	vst v0  }
0x105: {  	s5 =	simm.s32 $0x8;
	s6 =	simm.s32 $0x140;
	v13 =	vadd.f32 $-5.000000000e-01, v8;
	v8 =	vld.idx.msk [tilespmem:v17+s21+$0x0], $0xffff;
	v0 =	vand.u32 $0x3FF, v1;
	v1 =	vand.u32 $0x3FF, v14;
	[tilespmem:s24+$0xFFFFFFC0] =	vst v18  }
.LBB2_8:
0x106: {  	v14 =	vld [tilespmem:s6+$0x30];
	v11 =	vand.u32 $0x3FF, v11;
	v9 =	vadd.f32 $1.258291200e+07, v9;
	v10 =	vadd.f32 $1.258291200e+07, v10;
	[tilespmem:s24+$0xFFFFFFD0] =	vst v3  }
0x107: {  	s5 =	sadd.s32 $0x8, s5;
	v3 =	vadd.f32 $1.258291200e+07, v13;
	v12 =	vand.u32 $0x3FF, v12;
	v6 =	vld.idx.msk [tilespmem:v6+s21+$0x0], $0xffff;
	[tilespmem:s24+$0xFFFFFFE0] =	vst v2  }
0x108: {  	p0 =	slt.u32 s5, $0x1F8;
	v2 =	vld [tilespmem:s6+$0xFFFFFFD0];
	v13 =	vand.u32 $0x3FF, v9;
	v15 =	vand.u32 $0x3FF, v10;
	[tilespmem:s24+$0xFFFFFFF0] =	vst v4  }
0x109: {  	v4 =	vld [tilespmem:s6+$0xFFFFFFE0];
	v3 =	vand.u32 $0x3FF, v3;
	[tilespmem:s24+$0x0] =	vst v5  }
0x10a: {  	v5 =	vld [tilespmem:s6+$0xFFFFFFF0];
	[tilespmem:s24+$0x10] =	vst v7  }
0x10b: {  	v7 =	vld [tilespmem:s6+$0x0];
	[tilespmem:s24+$0x20] =	vst v8  }
0x10c: {  	v9 =	vmul.f32 $1.629746550e+02, v14;
	s24 =	sadd.s32 $0x80, s24;
	v8 =	vld [tilespmem:s6+$0x10]  }
0x10d: {  	v2 =	vmul.f32 $1.629746550e+02, v2;
	v10 =	vld [tilespmem:s6+$0x20];
	[tilespmem:s24+$0x30] =	vst v6  }
0x10e: {  	v6 =	vadd.f32 $-5.000000000e-01, v9;
	v14 =	vld [tilespmem:s6+$0xFFFFFFC0];
	v4 =	vmul.f32 $1.629746550e+02, v4  }
0x10f: {  	v2 =	vadd.f32 $-5.000000000e-01, v2;
	v5 =	vmul.f32 $1.629746550e+02, v5;
	v16 =	vld.idx.msk [tilespmem:v3+s21+$0x0], $0xffff  }
0x110: {  	v6 =	vadd.f32 $1.258291200e+07, v6;
	v9 =	vadd.f32 $-5.000000000e-01, v4;
	v4 =	vmul.f32 $1.629746550e+02, v7;
	v3 =	vld.idx.msk [tilespmem:v0+s21+$0x0], $0xffff  }
.Ltmp3:
0x111: {  	v0 =	vadd.f32 $1.258291200e+07, v2;
	v7 =	vadd.f32 $-5.000000000e-01, v5;
	v5 =	vmul.f32 $1.629746550e+02, v8;
	v2 =	vld.idx.msk [tilespmem:v1+s21+$0x0], $0xffff;
	(pc) =	sbr.rel @p0 .LBB2_8-.Ltmp3, $4  }
0x112: {  	v6 =	vand.u32 $0x3FF, v6;
	v8 =	vadd.f32 $-5.000000000e-01, v4;
	v1 =	vmul.f32 $1.629746550e+02, v10;
	v4 =	vld.idx.msk [tilespmem:v11+s21+$0x0], $0xffff  }
0x113: {  	v17 =	vadd.f32 $1.258291200e+07, v9;
	v14 =	vmul.f32 $1.629746550e+02, v14;
	v9 =	vadd.f32 $-5.000000000e-01, v5;
	v5 =	vld.idx.msk [tilespmem:v12+s21+$0x0], $0xffff  }
0x114: {  	v0 =	vand.u32 $0x3FF, v0;
	v11 =	vadd.f32 $1.258291200e+07, v7;
	v10 =	vadd.f32 $-5.000000000e-01, v1;
	v7 =	vld.idx.msk [tilespmem:v13+s21+$0x0], $0xffff  }
0x115: {  	s6 =	sadd.s32 $0x80, s6;
	v1 =	vand.u32 $0x3FF, v17;
	v12 =	vadd.f32 $1.258291200e+07, v8;
	v13 =	vadd.f32 $-5.000000000e-01, v14;
	[tilespmem:s24+$0xFFFFFFC0] =	vst v16;
	v8 =	vld.idx.msk [tilespmem:v15+s21+$0x0], $0xffff  }
0x116: {  	_ =	sdelay $0x2  }
0x117: {  	v11 =	vand.u32 $0x3FF, v11;
	v9 =	vadd.f32 $1.258291200e+07, v9  }
0x118: {  	[tilespmem:s24+$0xFFFFFFD0] =	vst v3;
	v3 =	vadd.f32 $1.258291200e+07, v10;
	v6 =	vld.idx.msk [tilespmem:v6+s21+$0x0], $0xffff;
	v10 =	vand.u32 $0x3FF, v12  }
0x119: {  	[tilespmem:s24+$0xFFFFFFE0] =	vst v2;
	v13 =	vadd.f32 $1.258291200e+07, v13;
	v2 =	vand.u32 $0x3FF, v9  }
0x11a: {  	v0 =	vld.idx.msk [tilespmem:v0+s21+$0x0], $0xffff;
	[tilespmem:s24+$0xFFFFFFF0] =	vst v4;
	v3 =	vand.u32 $0x3FF, v3  }
0x11b: {  	v1 =	vld.idx.msk [tilespmem:v1+s21+$0x0], $0xffff;
	[tilespmem:s24+$0x0] =	vst v5;
	v13 =	vand.u32 $0x3FF, v13  }
0x11c: {  	s5 =	sadd.s32 $0x80, s24;
	[tilespmem:s24+$0x10] =	vst v7;
	v5 =	vld.idx.msk [tilespmem:v11+s21+$0x0], $0xffff  }
0x11d: {  	[tilespmem:s5+$0x30] =	vst v6;
	v6 =	vld.idx.msk [tilespmem:v10+s21+$0x0], $0xffff  }
0x11e: {  	[tilespmem:s24+$0x20] =	vst v8;
	v2 =	vld.idx.msk [tilespmem:v2+s21+$0x0], $0xffff  }
0x11f: {  	[tilespmem:s5+$0xFFFFFFD0] =	vst v0;
	v3 =	vld.idx.msk [tilespmem:v3+s21+$0x0], $0xffff  }
0x120: {  	[tilespmem:s5+$0xFFFFFFE0] =	vst v1;
	v4 =	vld.idx.msk [tilespmem:v13+s21+$0x0], $0xffff  }
0x121: {  	[tilespmem:s5+$0xFFFFFFF0] =	vst v5  }
0x122: {  	[tilespmem:s5+$0x0] =	vst v6  }
0x123: {  	[tilespmem:s5+$0x10] =	vst v2  }
0x124: {  	[tilespmem:s5+$0x20] =	vst v3  }
0x125: {  	[tilespmem:s5+$0xFFFFFFC0] =	vst v4  }
0x126: {  	[hbm4b:s13+s3] =	stream.linear.scatter [tilespmem:s26], [sflag:$0x4], $0x2000, $0x38;
	[tilespmem:$0xC400] =	vst v63  }
0x127: {  	_ = 	snop  }
0x128: {  	[tilespmem:s3], [sflag:$0x1] =	stream.linear.gather [hbm4b:s14+s3], $0x2000, $0x38;
	[tilespmem:$0xC400] =	vst v63  }
0x129: {  	_ =	swait.ge [sflag:s28], $0x2000  }
0x12a: {  	[sflag:s28] =	ssyncset.done $0x0  }
0x12b: {  	[sflag:s28] =	ssyncadd.s32 $0xFFFFE000  }
0x12c: {  	_ =	swait.ge [sflag:s2], $0x2000  }
0x12d: {  	[sflag:s2] =	ssyncset.done $0x0  }
0x12e: {  	s6 =	simm.s32 $0x2040;
	[sflag:s2] =	ssyncadd.s32 $0xFFFFE000  }
0x12f: {  	v0 =	vld [tilespmem:s6+$0x30]  }
0x130: {  	v1 =	vld [tilespmem:s6+$0xFFFFFFD0]  }
0x131: {  	v2 =	vld [tilespmem:s6+$0xFFFFFFE0]  }
0x132: {  	v3 =	vld [tilespmem:s6+$0xFFFFFFC0]  }
0x133: {  	v4 =	vld [tilespmem:s6+$0xFFFFFFF0]  }
0x134: {  	v5 =	vld [tilespmem:s6+$0x0]  }
0x135: {  	v6 =	vld [tilespmem:s6+$0x10]  }
0x136: {  	s24 =	simm.s32 $0x20C0;
	v7 =	vld [tilespmem:s6+$0x20]  }
0x137: {  	v8 =	vld [tilespmem:s24+$0x30];
	v0 =	vmul.f32 $1.629746550e+02, v0;
	v1 =	vmul.f32 $1.629746550e+02, v1  }
0x138: {  	v9 =	vld [tilespmem:s24+$0xFFFFFFD0];
	v2 =	vmul.f32 $1.629746550e+02, v2;
	v3 =	vmul.f32 $1.629746550e+02, v3  }
0x139: {  	v4 =	vmul.f32 $1.629746550e+02, v4;
	v5 =	vmul.f32 $1.629746550e+02, v5;
	v0 =	vadd.f32 $-5.000000000e-01, v0  }
0x13a: {  	v6 =	vmul.f32 $1.629746550e+02, v6;
	v1 =	vadd.f32 $-5.000000000e-01, v1;
	v2 =	vadd.f32 $-5.000000000e-01, v2  }
0x13b: {  	v7 =	vmul.f32 $1.629746550e+02, v7;
	v3 =	vadd.f32 $-5.000000000e-01, v3;
	v4 =	vadd.f32 $-5.000000000e-01, v4  }
0x13c: {  	v10 =	vld [tilespmem:s24+$0xFFFFFFE0];
	v8 =	vmul.f32 $1.629746550e+02, v8;
	v5 =	vadd.f32 $-5.000000000e-01, v5;
	v0 =	vadd.f32 $1.258291200e+07, v0  }
0x13d: {  	v9 =	vmul.f32 $1.629746550e+02, v9;
	v6 =	vadd.f32 $-5.000000000e-01, v6;
	v3 =	vadd.f32 $1.258291200e+07, v3  }
0x13e: {  	v12 =	vld [tilespmem:s24+$0x0];
	v7 =	vadd.f32 $-5.000000000e-01, v7;
	v1 =	vadd.f32 $1.258291200e+07, v1;
	v0 =	vand.u32 $0x3FF, v0  }
0x13f: {  	v11 =	vld [tilespmem:s24+$0xFFFFFFF0];
	v2 =	vadd.f32 $1.258291200e+07, v2;
	v6 =	vadd.f32 $1.258291200e+07, v6;
	v3 =	vand.u32 $0x3FF, v3  }
0x140: {  	v13 =	vld [tilespmem:s24+$0x10];
	v4 =	vadd.f32 $1.258291200e+07, v4;
	v5 =	vadd.f32 $1.258291200e+07, v5;
	v1 =	vand.u32 $0x3FF, v1  }
0x141: {  	v14 =	vld [tilespmem:s24+$0x20];
	v2 =	vand.u32 $0x3FF, v2;
	v15 =	vand.u32 $0x3FF, v6;
	v6 =	vmul.f32 $1.629746550e+02, v10  }
0x142: {  	v16 =	vld [tilespmem:s24+$0xFFFFFFC0];
	v8 =	vadd.f32 $-5.000000000e-01, v8;
	v7 =	vadd.f32 $1.258291200e+07, v7;
	v4 =	vand.u32 $0x3FF, v4  }
0x143: {  	v5 =	vand.u32 $0x3FF, v5;
	v10 =	vadd.f32 $-5.000000000e-01, v6;
	v6 =	vmul.f32 $1.629746550e+02, v12;
	v0 =	vld.idx.msk [tilespmem:v0+s21+$0x0], $0xffff  }
0x144: {  	v17 =	vand.u32 $0x3FF, v7;
	v7 =	vadd.f32 $-5.000000000e-01, v9;
	v9 =	vmul.f32 $1.629746550e+02, v11;
	v18 =	vld.idx.msk [tilespmem:v3+s21+$0x0], $0xffff  }
0x145: {  	v8 =	vadd.f32 $1.258291200e+07, v8;
	v12 =	vadd.f32 $-5.000000000e-01, v6;
	v3 =	vld.idx.msk [tilespmem:v1+s21+$0x0], $0xffff  }
0x146: {  	v1 =	vadd.f32 $1.258291200e+07, v7;
	v7 =	vadd.f32 $-5.000000000e-01, v9;
	v9 =	vmul.f32 $1.629746550e+02, v13;
	v2 =	vld.idx.msk [tilespmem:v2+s21+$0x0], $0xffff  }
0x147: {  	v6 =	vand.u32 $0x3FF, v8;
	v13 =	vmul.f32 $1.629746550e+02, v14;
	v4 =	vld.idx.msk [tilespmem:v4+s21+$0x0], $0xffff;
	v14 =	vadd.f32 $1.258291200e+07, v10  }
0x148: {  	s24 =	simm.s32 $0x8040;
	v8 =	vmul.f32 $1.629746550e+02, v16;
	v5 =	vld.idx.msk [tilespmem:v5+s21+$0x0], $0xffff;
	v12 =	vadd.f32 $1.258291200e+07, v12;
	v9 =	vadd.f32 $-5.000000000e-01, v9  }
0x149: {  	v11 =	vadd.f32 $1.258291200e+07, v7;
	v10 =	vadd.f32 $-5.000000000e-01, v13;
	v7 =	vld.idx.msk [tilespmem:v15+s21+$0x0], $0xffff;
	[tilespmem:s24+$0x30] =	vst v0  }
0x14a: {  	s5 =	simm.s32 $0x8;
	s6 =	simm.s32 $0x2140;
	v13 =	vadd.f32 $-5.000000000e-01, v8;
	v8 =	vld.idx.msk [tilespmem:v17+s21+$0x0], $0xffff;
	v0 =	vand.u32 $0x3FF, v1;
	v1 =	vand.u32 $0x3FF, v14;
	[tilespmem:s24+$0xFFFFFFC0] =	vst v18  }
.LBB2_10:
0x14b: {  	v14 =	vld [tilespmem:s6+$0x30];
	v11 =	vand.u32 $0x3FF, v11;
	v9 =	vadd.f32 $1.258291200e+07, v9;
	v10 =	vadd.f32 $1.258291200e+07, v10;
	[tilespmem:s24+$0xFFFFFFD0] =	vst v3  }
0x14c: {  	s5 =	sadd.s32 $0x8, s5;
	v3 =	vadd.f32 $1.258291200e+07, v13;
	v12 =	vand.u32 $0x3FF, v12;
	v6 =	vld.idx.msk [tilespmem:v6+s21+$0x0], $0xffff;
	[tilespmem:s24+$0xFFFFFFE0] =	vst v2  }
0x14d: {  	p0 =	slt.u32 s5, $0x1F8;
	v2 =	vld [tilespmem:s6+$0xFFFFFFD0];
	v13 =	vand.u32 $0x3FF, v9;
	v15 =	vand.u32 $0x3FF, v10;
	[tilespmem:s24+$0xFFFFFFF0] =	vst v4  }
0x14e: {  	v4 =	vld [tilespmem:s6+$0xFFFFFFE0];
	v3 =	vand.u32 $0x3FF, v3;
	[tilespmem:s24+$0x0] =	vst v5  }
0x14f: {  	v5 =	vld [tilespmem:s6+$0xFFFFFFF0];
	[tilespmem:s24+$0x10] =	vst v7  }
0x150: {  	v7 =	vld [tilespmem:s6+$0x0];
	[tilespmem:s24+$0x20] =	vst v8  }
0x151: {  	v9 =	vmul.f32 $1.629746550e+02, v14;
	s24 =	sadd.s32 $0x80, s24;
	v8 =	vld [tilespmem:s6+$0x10]  }
0x152: {  	v2 =	vmul.f32 $1.629746550e+02, v2;
	v10 =	vld [tilespmem:s6+$0x20];
	[tilespmem:s24+$0x30] =	vst v6  }
0x153: {  	v6 =	vadd.f32 $-5.000000000e-01, v9;
	v14 =	vld [tilespmem:s6+$0xFFFFFFC0];
	v4 =	vmul.f32 $1.629746550e+02, v4  }
0x154: {  	v2 =	vadd.f32 $-5.000000000e-01, v2;
	v5 =	vmul.f32 $1.629746550e+02, v5;
	v16 =	vld.idx.msk [tilespmem:v3+s21+$0x0], $0xffff  }
0x155: {  	v6 =	vadd.f32 $1.258291200e+07, v6;
	v9 =	vadd.f32 $-5.000000000e-01, v4;
	v4 =	vmul.f32 $1.629746550e+02, v7;
	v3 =	vld.idx.msk [tilespmem:v0+s21+$0x0], $0xffff  }
.Ltmp4:
0x156: {  	v0 =	vadd.f32 $1.258291200e+07, v2;
	v7 =	vadd.f32 $-5.000000000e-01, v5;
	v5 =	vmul.f32 $1.629746550e+02, v8;
	v2 =	vld.idx.msk [tilespmem:v1+s21+$0x0], $0xffff;
	(pc) =	sbr.rel @p0 .LBB2_10-.Ltmp4, $4  }
0x157: {  	v6 =	vand.u32 $0x3FF, v6;
	v8 =	vadd.f32 $-5.000000000e-01, v4;
	v1 =	vmul.f32 $1.629746550e+02, v10;
	v4 =	vld.idx.msk [tilespmem:v11+s21+$0x0], $0xffff  }
0x158: {  	v17 =	vadd.f32 $1.258291200e+07, v9;
	v14 =	vmul.f32 $1.629746550e+02, v14;
	v9 =	vadd.f32 $-5.000000000e-01, v5;
	v5 =	vld.idx.msk [tilespmem:v12+s21+$0x0], $0xffff  }
0x159: {  	v0 =	vand.u32 $0x3FF, v0;
	v11 =	vadd.f32 $1.258291200e+07, v7;
	v10 =	vadd.f32 $-5.000000000e-01, v1;
	v7 =	vld.idx.msk [tilespmem:v13+s21+$0x0], $0xffff  }
0x15a: {  	s6 =	sadd.s32 $0x80, s6;
	v1 =	vand.u32 $0x3FF, v17;
	v12 =	vadd.f32 $1.258291200e+07, v8;
	v13 =	vadd.f32 $-5.000000000e-01, v14;
	[tilespmem:s24+$0xFFFFFFC0] =	vst v16;
	v8 =	vld.idx.msk [tilespmem:v15+s21+$0x0], $0xffff  }
0x15b: {  	_ =	sdelay $0x2  }
0x15c: {  	v11 =	vand.u32 $0x3FF, v11;
	v9 =	vadd.f32 $1.258291200e+07, v9  }
0x15d: {  	[tilespmem:s24+$0xFFFFFFD0] =	vst v3;
	v3 =	vadd.f32 $1.258291200e+07, v10;
	v6 =	vld.idx.msk [tilespmem:v6+s21+$0x0], $0xffff;
	v10 =	vand.u32 $0x3FF, v12  }
0x15e: {  	[tilespmem:s24+$0xFFFFFFE0] =	vst v2;
	v13 =	vadd.f32 $1.258291200e+07, v13;
	v2 =	vand.u32 $0x3FF, v9  }
0x15f: {  	v0 =	vld.idx.msk [tilespmem:v0+s21+$0x0], $0xffff;
	[tilespmem:s24+$0xFFFFFFF0] =	vst v4;
	v3 =	vand.u32 $0x3FF, v3  }
0x160: {  	v1 =	vld.idx.msk [tilespmem:v1+s21+$0x0], $0xffff;
	[tilespmem:s24+$0x0] =	vst v5;
	v13 =	vand.u32 $0x3FF, v13  }
0x161: {  	s5 =	sadd.s32 $0x80, s24;
	[tilespmem:s24+$0x10] =	vst v7;
	v5 =	vld.idx.msk [tilespmem:v11+s21+$0x0], $0xffff  }
0x162: {  	[tilespmem:s5+$0x30] =	vst v6;
	v6 =	vld.idx.msk [tilespmem:v10+s21+$0x0], $0xffff  }
0x163: {  	[tilespmem:s24+$0x20] =	vst v8;
	v2 =	vld.idx.msk [tilespmem:v2+s21+$0x0], $0xffff  }
0x164: {  	[tilespmem:s5+$0xFFFFFFD0] =	vst v0;
	v3 =	vld.idx.msk [tilespmem:v3+s21+$0x0], $0xffff  }
0x165: {  	[tilespmem:s5+$0xFFFFFFE0] =	vst v1;
	v4 =	vld.idx.msk [tilespmem:v13+s21+$0x0], $0xffff  }
0x166: {  	[tilespmem:s5+$0xFFFFFFF0] =	vst v5  }
0x167: {  	[tilespmem:s5+$0x0] =	vst v6  }
0x168: {  	[tilespmem:s5+$0x10] =	vst v2  }
0x169: {  	[tilespmem:s5+$0x20] =	vst v3  }
0x16a: {  	[tilespmem:s5+$0xFFFFFFC0] =	vst v4  }
0x16b: {  	[hbm4b:s15+s3] =	stream.linear.scatter [tilespmem:s29], [sflag:$0x5], $0x2000, $0x38;
	[tilespmem:$0xC400] =	vst v63  }
0x16c: {  	_ = 	snop  }
0x16d: {  	[tilespmem:s23], [sflag:$0x2] =	stream.linear.gather [hbm4b:s16+s3], $0x2000, $0x38;
	[tilespmem:$0xC400] =	vst v63  }
0x16e: {  	_ =	swait.ge [sflag:s30], $0x2000  }
0x16f: {  	[sflag:s30] =	ssyncset.done $0x0  }
0x170: {  	[sflag:s30] =	ssyncadd.s32 $0xFFFFE000  }
0x171: {  	_ =	swait.ge [sflag:s1], $0x2000  }
0x172: {  	[sflag:s1] =	ssyncset.done $0x0  }
0x173: {  	s6 =	simm.s32 $0x4040;
	[sflag:s1] =	ssyncadd.s32 $0xFFFFE000  }
0x174: {  	v0 =	vld [tilespmem:s6+$0x30]  }
0x175: {  	v1 =	vld [tilespmem:s6+$0xFFFFFFD0]  }
0x176: {  	v2 =	vld [tilespmem:s6+$0xFFFFFFE0]  }
0x177: {  	v3 =	vld [tilespmem:s6+$0xFFFFFFC0]  }
0x178: {  	v4 =	vld [tilespmem:s6+$0xFFFFFFF0]  }
0x179: {  	v5 =	vld [tilespmem:s6+$0x0]  }
0x17a: {  	v6 =	vld [tilespmem:s6+$0x10]  }
0x17b: {  	s24 =	simm.s32 $0x40C0;
	v7 =	vld [tilespmem:s6+$0x20]  }
0x17c: {  	v8 =	vld [tilespmem:s24+$0x30];
	v0 =	vmul.f32 $1.629746550e+02, v0;
	v1 =	vmul.f32 $1.629746550e+02, v1  }
0x17d: {  	v9 =	vld [tilespmem:s24+$0xFFFFFFD0];
	v2 =	vmul.f32 $1.629746550e+02, v2;
	v3 =	vmul.f32 $1.629746550e+02, v3  }
0x17e: {  	v4 =	vmul.f32 $1.629746550e+02, v4;
	v5 =	vmul.f32 $1.629746550e+02, v5;
	v0 =	vadd.f32 $-5.000000000e-01, v0  }
0x17f: {  	v6 =	vmul.f32 $1.629746550e+02, v6;
	v1 =	vadd.f32 $-5.000000000e-01, v1;
	v2 =	vadd.f32 $-5.000000000e-01, v2  }
0x180: {  	v7 =	vmul.f32 $1.629746550e+02, v7;
	v3 =	vadd.f32 $-5.000000000e-01, v3;
	v4 =	vadd.f32 $-5.000000000e-01, v4  }
0x181: {  	v10 =	vld [tilespmem:s24+$0xFFFFFFE0];
	v8 =	vmul.f32 $1.629746550e+02, v8;
	v5 =	vadd.f32 $-5.000000000e-01, v5;
	v0 =	vadd.f32 $1.258291200e+07, v0  }
0x182: {  	v9 =	vmul.f32 $1.629746550e+02, v9;
	v6 =	vadd.f32 $-5.000000000e-01, v6;
	v3 =	vadd.f32 $1.258291200e+07, v3  }
0x183: {  	v12 =	vld [tilespmem:s24+$0x0];
	v7 =	vadd.f32 $-5.000000000e-01, v7;
	v1 =	vadd.f32 $1.258291200e+07, v1;
	v0 =	vand.u32 $0x3FF, v0  }
0x184: {  	v11 =	vld [tilespmem:s24+$0xFFFFFFF0];
	v2 =	vadd.f32 $1.258291200e+07, v2;
	v6 =	vadd.f32 $1.258291200e+07, v6;
	v3 =	vand.u32 $0x3FF, v3  }
0x185: {  	v13 =	vld [tilespmem:s24+$0x10];
	v4 =	vadd.f32 $1.258291200e+07, v4;
	v5 =	vadd.f32 $1.258291200e+07, v5;
	v1 =	vand.u32 $0x3FF, v1  }
0x186: {  	v14 =	vld [tilespmem:s24+$0x20];
	v2 =	vand.u32 $0x3FF, v2;
	v15 =	vand.u32 $0x3FF, v6;
	v6 =	vmul.f32 $1.629746550e+02, v10  }
0x187: {  	v16 =	vld [tilespmem:s24+$0xFFFFFFC0];
	v8 =	vadd.f32 $-5.000000000e-01, v8;
	v7 =	vadd.f32 $1.258291200e+07, v7;
	v4 =	vand.u32 $0x3FF, v4  }
0x188: {  	v5 =	vand.u32 $0x3FF, v5;
	v10 =	vadd.f32 $-5.000000000e-01, v6;
	v6 =	vmul.f32 $1.629746550e+02, v12;
	v0 =	vld.idx.msk [tilespmem:v0+s21+$0x0], $0xffff  }
0x189: {  	v17 =	vand.u32 $0x3FF, v7;
	v7 =	vadd.f32 $-5.000000000e-01, v9;
	v9 =	vmul.f32 $1.629746550e+02, v11;
	v18 =	vld.idx.msk [tilespmem:v3+s21+$0x0], $0xffff  }
0x18a: {  	v8 =	vadd.f32 $1.258291200e+07, v8;
	v12 =	vadd.f32 $-5.000000000e-01, v6;
	v3 =	vld.idx.msk [tilespmem:v1+s21+$0x0], $0xffff  }
0x18b: {  	v1 =	vadd.f32 $1.258291200e+07, v7;
	v7 =	vadd.f32 $-5.000000000e-01, v9;
	v9 =	vmul.f32 $1.629746550e+02, v13;
	v2 =	vld.idx.msk [tilespmem:v2+s21+$0x0], $0xffff  }
0x18c: {  	v6 =	vand.u32 $0x3FF, v8;
	v13 =	vmul.f32 $1.629746550e+02, v14;
	v4 =	vld.idx.msk [tilespmem:v4+s21+$0x0], $0xffff;
	v14 =	vadd.f32 $1.258291200e+07, v10  }
0x18d: {  	s24 =	simm.s32 $0xA040;
	v8 =	vmul.f32 $1.629746550e+02, v16;
	v5 =	vld.idx.msk [tilespmem:v5+s21+$0x0], $0xffff;
	v12 =	vadd.f32 $1.258291200e+07, v12;
	v9 =	vadd.f32 $-5.000000000e-01, v9  }
0x18e: {  	v11 =	vadd.f32 $1.258291200e+07, v7;
	v10 =	vadd.f32 $-5.000000000e-01, v13;
	v7 =	vld.idx.msk [tilespmem:v15+s21+$0x0], $0xffff;
	[tilespmem:s24+$0x30] =	vst v0  }
0x18f: {  	s5 =	simm.s32 $0x8;
	s6 =	simm.s32 $0x4140;
	v13 =	vadd.f32 $-5.000000000e-01, v8;
	v8 =	vld.idx.msk [tilespmem:v17+s21+$0x0], $0xffff;
	v0 =	vand.u32 $0x3FF, v1;
	v1 =	vand.u32 $0x3FF, v14;
	[tilespmem:s24+$0xFFFFFFC0] =	vst v18  }
.LBB2_12:
0x190: {  	v14 =	vld [tilespmem:s6+$0x30];
	v11 =	vand.u32 $0x3FF, v11;
	v9 =	vadd.f32 $1.258291200e+07, v9;
	v10 =	vadd.f32 $1.258291200e+07, v10;
	[tilespmem:s24+$0xFFFFFFD0] =	vst v3  }
0x191: {  	s5 =	sadd.s32 $0x8, s5;
	v3 =	vadd.f32 $1.258291200e+07, v13;
	v12 =	vand.u32 $0x3FF, v12;
	v6 =	vld.idx.msk [tilespmem:v6+s21+$0x0], $0xffff;
	[tilespmem:s24+$0xFFFFFFE0] =	vst v2  }
0x192: {  	p0 =	slt.u32 s5, $0x1F8;
	v2 =	vld [tilespmem:s6+$0xFFFFFFD0];
	v13 =	vand.u32 $0x3FF, v9;
	v15 =	vand.u32 $0x3FF, v10;
	[tilespmem:s24+$0xFFFFFFF0] =	vst v4  }
0x193: {  	v4 =	vld [tilespmem:s6+$0xFFFFFFE0];
	v3 =	vand.u32 $0x3FF, v3;
	[tilespmem:s24+$0x0] =	vst v5  }
0x194: {  	v5 =	vld [tilespmem:s6+$0xFFFFFFF0];
	[tilespmem:s24+$0x10] =	vst v7  }
0x195: {  	v7 =	vld [tilespmem:s6+$0x0];
	[tilespmem:s24+$0x20] =	vst v8  }
0x196: {  	v9 =	vmul.f32 $1.629746550e+02, v14;
	s24 =	sadd.s32 $0x80, s24;
	v8 =	vld [tilespmem:s6+$0x10]  }
0x197: {  	v2 =	vmul.f32 $1.629746550e+02, v2;
	v10 =	vld [tilespmem:s6+$0x20];
	[tilespmem:s24+$0x30] =	vst v6  }
0x198: {  	v6 =	vadd.f32 $-5.000000000e-01, v9;
	v14 =	vld [tilespmem:s6+$0xFFFFFFC0];
	v4 =	vmul.f32 $1.629746550e+02, v4  }
0x199: {  	v2 =	vadd.f32 $-5.000000000e-01, v2;
	v5 =	vmul.f32 $1.629746550e+02, v5;
	v16 =	vld.idx.msk [tilespmem:v3+s21+$0x0], $0xffff  }
0x19a: {  	v6 =	vadd.f32 $1.258291200e+07, v6;
	v9 =	vadd.f32 $-5.000000000e-01, v4;
	v4 =	vmul.f32 $1.629746550e+02, v7;
	v3 =	vld.idx.msk [tilespmem:v0+s21+$0x0], $0xffff  }
.Ltmp5:
0x19b: {  	v0 =	vadd.f32 $1.258291200e+07, v2;
	v7 =	vadd.f32 $-5.000000000e-01, v5;
	v5 =	vmul.f32 $1.629746550e+02, v8;
	v2 =	vld.idx.msk [tilespmem:v1+s21+$0x0], $0xffff;
	(pc) =	sbr.rel @p0 .LBB2_12-.Ltmp5, $4  }
0x19c: {  	v6 =	vand.u32 $0x3FF, v6;
	v8 =	vadd.f32 $-5.000000000e-01, v4;
	v1 =	vmul.f32 $1.629746550e+02, v10;
	v4 =	vld.idx.msk [tilespmem:v11+s21+$0x0], $0xffff  }
0x19d: {  	v17 =	vadd.f32 $1.258291200e+07, v9;
	v14 =	vmul.f32 $1.629746550e+02, v14;
	v9 =	vadd.f32 $-5.000000000e-01, v5;
	v5 =	vld.idx.msk [tilespmem:v12+s21+$0x0], $0xffff  }
0x19e: {  	v0 =	vand.u32 $0x3FF, v0;
	v11 =	vadd.f32 $1.258291200e+07, v7;
	v10 =	vadd.f32 $-5.000000000e-01, v1;
	v7 =	vld.idx.msk [tilespmem:v13+s21+$0x0], $0xffff  }
0x19f: {  	s6 =	sadd.s32 $0x80, s6;
	v1 =	vand.u32 $0x3FF, v17;
	v12 =	vadd.f32 $1.258291200e+07, v8;
	v13 =	vadd.f32 $-5.000000000e-01, v14;
	[tilespmem:s24+$0xFFFFFFC0] =	vst v16;
	v8 =	vld.idx.msk [tilespmem:v15+s21+$0x0], $0xffff  }
0x1a0: {  	_ =	sdelay $0x2  }
0x1a1: {  	v11 =	vand.u32 $0x3FF, v11;
	v9 =	vadd.f32 $1.258291200e+07, v9  }
0x1a2: {  	[tilespmem:s24+$0xFFFFFFD0] =	vst v3;
	v3 =	vadd.f32 $1.258291200e+07, v10;
	v6 =	vld.idx.msk [tilespmem:v6+s21+$0x0], $0xffff;
	v10 =	vand.u32 $0x3FF, v12  }
0x1a3: {  	[tilespmem:s24+$0xFFFFFFE0] =	vst v2;
	v13 =	vadd.f32 $1.258291200e+07, v13;
	v2 =	vand.u32 $0x3FF, v9  }
0x1a4: {  	v0 =	vld.idx.msk [tilespmem:v0+s21+$0x0], $0xffff;
	[tilespmem:s24+$0xFFFFFFF0] =	vst v4;
	v3 =	vand.u32 $0x3FF, v3  }
0x1a5: {  	v1 =	vld.idx.msk [tilespmem:v1+s21+$0x0], $0xffff;
	[tilespmem:s24+$0x0] =	vst v5;
	v13 =	vand.u32 $0x3FF, v13  }
0x1a6: {  	s5 =	sadd.s32 $0x80, s24;
	[tilespmem:s24+$0x10] =	vst v7;
	v5 =	vld.idx.msk [tilespmem:v11+s21+$0x0], $0xffff  }
0x1a7: {  	[tilespmem:s5+$0x30] =	vst v6;
	v6 =	vld.idx.msk [tilespmem:v10+s21+$0x0], $0xffff  }
0x1a8: {  	[tilespmem:s24+$0x20] =	vst v8;
	v2 =	vld.idx.msk [tilespmem:v2+s21+$0x0], $0xffff  }
0x1a9: {  	[tilespmem:s5+$0xFFFFFFD0] =	vst v0;
	v3 =	vld.idx.msk [tilespmem:v3+s21+$0x0], $0xffff  }
0x1aa: {  	[tilespmem:s5+$0xFFFFFFE0] =	vst v1;
	v4 =	vld.idx.msk [tilespmem:v13+s21+$0x0], $0xffff  }
0x1ab: {  	[tilespmem:s5+$0xFFFFFFF0] =	vst v5  }
0x1ac: {  	[tilespmem:s5+$0x0] =	vst v6  }
0x1ad: {  	[tilespmem:s5+$0x10] =	vst v2  }
0x1ae: {  	[tilespmem:s5+$0x20] =	vst v3  }
0x1af: {  	[tilespmem:s5+$0xFFFFFFC0] =	vst v4  }
0x1b0: {  	[hbm4b:s17+s3] =	stream.linear.scatter [tilespmem:s31], [sflag:$0x6], $0x2000, $0x38;
	[tilespmem:$0xC400] =	vst v63  }
0x1b1: {  	_ =	swait.ge [sflag:s25], $0x2000  }
0x1b2: {  	[sflag:s25] =	ssyncset.done $0x0  }
0x1b3: {  	[sflag:s25] =	ssyncadd.s32 $0xFFFFE000  }
0x1b4: {  	_ =	swait.ge [sflag:s0], $0x2000  }
0x1b5: {  	[sflag:s0] =	ssyncset.done $0x0  }
0x1b6: {  	s6 =	simm.s32 $0x40;
	[sflag:s0] =	ssyncadd.s32 $0xFFFFE000  }
0x1b7: {  	v0 =	vld [tilespmem:s6+$0x30]  }
0x1b8: {  	v1 =	vld [tilespmem:s6+$0xFFFFFFD0]  }
0x1b9: {  	v2 =	vld [tilespmem:s6+$0xFFFFFFE0]  }
0x1ba: {  	v3 =	vld [tilespmem:s6+$0xFFFFFFC0]  }
0x1bb: {  	v4 =	vld [tilespmem:s6+$0xFFFFFFF0]  }
0x1bc: {  	v5 =	vld [tilespmem:s6+$0x0]  }
0x1bd: {  	v6 =	vld [tilespmem:s6+$0x10]  }
0x1be: {  	s24 =	simm.s32 $0xC0;
	v7 =	vld [tilespmem:s6+$0x20]  }
0x1bf: {  	v8 =	vld [tilespmem:s24+$0x30];
	v0 =	vmul.f32 $1.629746550e+02, v0;
	v1 =	vmul.f32 $1.629746550e+02, v1  }
0x1c0: {  	v9 =	vld [tilespmem:s24+$0xFFFFFFD0];
	v2 =	vmul.f32 $1.629746550e+02, v2;
	v3 =	vmul.f32 $1.629746550e+02, v3  }
0x1c1: {  	v4 =	vmul.f32 $1.629746550e+02, v4;
	v5 =	vmul.f32 $1.629746550e+02, v5;
	v0 =	vadd.f32 $-5.000000000e-01, v0  }
0x1c2: {  	v6 =	vmul.f32 $1.629746550e+02, v6;
	v1 =	vadd.f32 $-5.000000000e-01, v1;
	v2 =	vadd.f32 $-5.000000000e-01, v2  }
0x1c3: {  	v7 =	vmul.f32 $1.629746550e+02, v7;
	v3 =	vadd.f32 $-5.000000000e-01, v3;
	v4 =	vadd.f32 $-5.000000000e-01, v4  }
0x1c4: {  	v10 =	vld [tilespmem:s24+$0xFFFFFFE0];
	v8 =	vmul.f32 $1.629746550e+02, v8;
	v5 =	vadd.f32 $-5.000000000e-01, v5;
	v0 =	vadd.f32 $1.258291200e+07, v0  }
0x1c5: {  	v9 =	vmul.f32 $1.629746550e+02, v9;
	v6 =	vadd.f32 $-5.000000000e-01, v6;
	v3 =	vadd.f32 $1.258291200e+07, v3  }
0x1c6: {  	v12 =	vld [tilespmem:s24+$0x0];
	v7 =	vadd.f32 $-5.000000000e-01, v7;
	v1 =	vadd.f32 $1.258291200e+07, v1;
	v0 =	vand.u32 $0x3FF, v0  }
0x1c7: {  	v11 =	vld [tilespmem:s24+$0xFFFFFFF0];
	v2 =	vadd.f32 $1.258291200e+07, v2;
	v6 =	vadd.f32 $1.258291200e+07, v6;
	v3 =	vand.u32 $0x3FF, v3  }
0x1c8: {  	v13 =	vld [tilespmem:s24+$0x10];
	v4 =	vadd.f32 $1.258291200e+07, v4;
	v5 =	vadd.f32 $1.258291200e+07, v5;
	v1 =	vand.u32 $0x3FF, v1  }
0x1c9: {  	v14 =	vld [tilespmem:s24+$0x20];
	v2 =	vand.u32 $0x3FF, v2;
	v15 =	vand.u32 $0x3FF, v6;
	v6 =	vmul.f32 $1.629746550e+02, v10  }
0x1ca: {  	v16 =	vld [tilespmem:s24+$0xFFFFFFC0];
	v8 =	vadd.f32 $-5.000000000e-01, v8;
	v7 =	vadd.f32 $1.258291200e+07, v7;
	v4 =	vand.u32 $0x3FF, v4  }
0x1cb: {  	v5 =	vand.u32 $0x3FF, v5;
	v10 =	vadd.f32 $-5.000000000e-01, v6;
	v6 =	vmul.f32 $1.629746550e+02, v12;
	v0 =	vld.idx.msk [tilespmem:v0+s21+$0x0], $0xffff  }
0x1cc: {  	v17 =	vand.u32 $0x3FF, v7;
	v7 =	vadd.f32 $-5.000000000e-01, v9;
	v9 =	vmul.f32 $1.629746550e+02, v11;
	v18 =	vld.idx.msk [tilespmem:v3+s21+$0x0], $0xffff  }
0x1cd: {  	v8 =	vadd.f32 $1.258291200e+07, v8;
	v12 =	vadd.f32 $-5.000000000e-01, v6;
	v3 =	vld.idx.msk [tilespmem:v1+s21+$0x0], $0xffff  }
0x1ce: {  	v1 =	vadd.f32 $1.258291200e+07, v7;
	v7 =	vadd.f32 $-5.000000000e-01, v9;
	v9 =	vmul.f32 $1.629746550e+02, v13;
	v2 =	vld.idx.msk [tilespmem:v2+s21+$0x0], $0xffff  }
0x1cf: {  	v6 =	vand.u32 $0x3FF, v8;
	v13 =	vmul.f32 $1.629746550e+02, v14;
	v4 =	vld.idx.msk [tilespmem:v4+s21+$0x0], $0xffff;
	v14 =	vadd.f32 $1.258291200e+07, v10  }
0x1d0: {  	s24 =	simm.s32 $0x6040;
	v8 =	vmul.f32 $1.629746550e+02, v16;
	v5 =	vld.idx.msk [tilespmem:v5+s21+$0x0], $0xffff;
	v12 =	vadd.f32 $1.258291200e+07, v12;
	v9 =	vadd.f32 $-5.000000000e-01, v9  }
0x1d1: {  	v11 =	vadd.f32 $1.258291200e+07, v7;
	v10 =	vadd.f32 $-5.000000000e-01, v13;
	v7 =	vld.idx.msk [tilespmem:v15+s21+$0x0], $0xffff;
	[tilespmem:s24+$0x30] =	vst v0  }
0x1d2: {  	s5 =	simm.s32 $0x8;
	s6 =	simm.s32 $0x140;
	v13 =	vadd.f32 $-5.000000000e-01, v8;
	v8 =	vld.idx.msk [tilespmem:v17+s21+$0x0], $0xffff;
	v0 =	vand.u32 $0x3FF, v1;
	v1 =	vand.u32 $0x3FF, v14;
	[tilespmem:s24+$0xFFFFFFC0] =	vst v18  }
.LBB2_14:
0x1d3: {  	v14 =	vld [tilespmem:s6+$0x30];
	v11 =	vand.u32 $0x3FF, v11;
	v9 =	vadd.f32 $1.258291200e+07, v9;
	v10 =	vadd.f32 $1.258291200e+07, v10;
	[tilespmem:s24+$0xFFFFFFD0] =	vst v3  }
0x1d4: {  	s5 =	sadd.s32 $0x8, s5;
	v3 =	vadd.f32 $1.258291200e+07, v13;
	v12 =	vand.u32 $0x3FF, v12;
	v6 =	vld.idx.msk [tilespmem:v6+s21+$0x0], $0xffff;
	[tilespmem:s24+$0xFFFFFFE0] =	vst v2  }
0x1d5: {  	p0 =	slt.u32 s5, $0x1F8;
	v2 =	vld [tilespmem:s6+$0xFFFFFFD0];
	v13 =	vand.u32 $0x3FF, v9;
	v15 =	vand.u32 $0x3FF, v10;
	[tilespmem:s24+$0xFFFFFFF0] =	vst v4  }
0x1d6: {  	v4 =	vld [tilespmem:s6+$0xFFFFFFE0];
	v3 =	vand.u32 $0x3FF, v3;
	[tilespmem:s24+$0x0] =	vst v5  }
0x1d7: {  	v5 =	vld [tilespmem:s6+$0xFFFFFFF0];
	[tilespmem:s24+$0x10] =	vst v7  }
0x1d8: {  	v7 =	vld [tilespmem:s6+$0x0];
	[tilespmem:s24+$0x20] =	vst v8  }
0x1d9: {  	v9 =	vmul.f32 $1.629746550e+02, v14;
	s24 =	sadd.s32 $0x80, s24;
	v8 =	vld [tilespmem:s6+$0x10]  }
0x1da: {  	v2 =	vmul.f32 $1.629746550e+02, v2;
	v10 =	vld [tilespmem:s6+$0x20];
	[tilespmem:s24+$0x30] =	vst v6  }
0x1db: {  	v6 =	vadd.f32 $-5.000000000e-01, v9;
	v14 =	vld [tilespmem:s6+$0xFFFFFFC0];
	v4 =	vmul.f32 $1.629746550e+02, v4  }
0x1dc: {  	v2 =	vadd.f32 $-5.000000000e-01, v2;
	v5 =	vmul.f32 $1.629746550e+02, v5;
	v16 =	vld.idx.msk [tilespmem:v3+s21+$0x0], $0xffff  }
0x1dd: {  	v6 =	vadd.f32 $1.258291200e+07, v6;
	v9 =	vadd.f32 $-5.000000000e-01, v4;
	v4 =	vmul.f32 $1.629746550e+02, v7;
	v3 =	vld.idx.msk [tilespmem:v0+s21+$0x0], $0xffff  }
.Ltmp6:
0x1de: {  	v0 =	vadd.f32 $1.258291200e+07, v2;
	v7 =	vadd.f32 $-5.000000000e-01, v5;
	v5 =	vmul.f32 $1.629746550e+02, v8;
	v2 =	vld.idx.msk [tilespmem:v1+s21+$0x0], $0xffff;
	(pc) =	sbr.rel @p0 .LBB2_14-.Ltmp6, $4  }
0x1df: {  	v6 =	vand.u32 $0x3FF, v6;
	v8 =	vadd.f32 $-5.000000000e-01, v4;
	v1 =	vmul.f32 $1.629746550e+02, v10;
	v4 =	vld.idx.msk [tilespmem:v11+s21+$0x0], $0xffff  }
0x1e0: {  	v17 =	vadd.f32 $1.258291200e+07, v9;
	v14 =	vmul.f32 $1.629746550e+02, v14;
	v9 =	vadd.f32 $-5.000000000e-01, v5;
	v5 =	vld.idx.msk [tilespmem:v12+s21+$0x0], $0xffff  }
0x1e1: {  	v0 =	vand.u32 $0x3FF, v0;
	v11 =	vadd.f32 $1.258291200e+07, v7;
	v10 =	vadd.f32 $-5.000000000e-01, v1;
	v7 =	vld.idx.msk [tilespmem:v13+s21+$0x0], $0xffff  }
0x1e2: {  	s6 =	sadd.s32 $0x80, s6;
	v1 =	vand.u32 $0x3FF, v17;
	v12 =	vadd.f32 $1.258291200e+07, v8;
	v13 =	vadd.f32 $-5.000000000e-01, v14;
	[tilespmem:s24+$0xFFFFFFC0] =	vst v16;
	v8 =	vld.idx.msk [tilespmem:v15+s21+$0x0], $0xffff  }
0x1e3: {  	_ =	sdelay $0x2  }
0x1e4: {  	v11 =	vand.u32 $0x3FF, v11;
	v9 =	vadd.f32 $1.258291200e+07, v9  }
0x1e5: {  	[tilespmem:s24+$0xFFFFFFD0] =	vst v3;
	v3 =	vadd.f32 $1.258291200e+07, v10;
	v6 =	vld.idx.msk [tilespmem:v6+s21+$0x0], $0xffff;
	v10 =	vand.u32 $0x3FF, v12  }
0x1e6: {  	[tilespmem:s24+$0xFFFFFFE0] =	vst v2;
	v13 =	vadd.f32 $1.258291200e+07, v13;
	v2 =	vand.u32 $0x3FF, v9  }
0x1e7: {  	v0 =	vld.idx.msk [tilespmem:v0+s21+$0x0], $0xffff;
	[tilespmem:s24+$0xFFFFFFF0] =	vst v4;
	v3 =	vand.u32 $0x3FF, v3  }
0x1e8: {  	v1 =	vld.idx.msk [tilespmem:v1+s21+$0x0], $0xffff;
	[tilespmem:s24+$0x0] =	vst v5;
	v13 =	vand.u32 $0x3FF, v13  }
0x1e9: {  	s5 =	sadd.s32 $0x80, s24;
	[tilespmem:s24+$0x10] =	vst v7;
	v5 =	vld.idx.msk [tilespmem:v11+s21+$0x0], $0xffff  }
0x1ea: {  	[tilespmem:s5+$0x30] =	vst v6;
	v6 =	vld.idx.msk [tilespmem:v10+s21+$0x0], $0xffff  }
0x1eb: {  	[tilespmem:s24+$0x20] =	vst v8;
	v2 =	vld.idx.msk [tilespmem:v2+s21+$0x0], $0xffff  }
0x1ec: {  	[tilespmem:s5+$0xFFFFFFD0] =	vst v0;
	v3 =	vld.idx.msk [tilespmem:v3+s21+$0x0], $0xffff  }
0x1ed: {  	[tilespmem:s5+$0xFFFFFFE0] =	vst v1;
	v4 =	vld.idx.msk [tilespmem:v13+s21+$0x0], $0xffff  }
0x1ee: {  	[tilespmem:s5+$0xFFFFFFF0] =	vst v5  }
0x1ef: {  	[tilespmem:s5+$0x0] =	vst v6  }
0x1f0: {  	[tilespmem:s5+$0x10] =	vst v2  }
0x1f1: {  	[tilespmem:s5+$0x20] =	vst v3  }
0x1f2: {  	[tilespmem:s5+$0xFFFFFFC0] =	vst v4  }
0x1f3: {  	[hbm4b:s18+s3] =	stream.linear.scatter [tilespmem:s26], [sflag:$0x4], $0x2000, $0x38;
	[tilespmem:$0xC400] =	vst v63  }
0x1f4: {  	_ =	swait.ge [sflag:s28], $0x2000  }
0x1f5: {  	[sflag:s28] =	ssyncset.done $0x0  }
0x1f6: {  	[sflag:s28] =	ssyncadd.s32 $0xFFFFE000  }
0x1f7: {  	_ =	swait.ge [sflag:s2], $0x2000  }
0x1f8: {  	[sflag:s2] =	ssyncset.done $0x0  }
0x1f9: {  	s6 =	simm.s32 $0x2040;
	[sflag:s2] =	ssyncadd.s32 $0xFFFFE000  }
0x1fa: {  	v0 =	vld [tilespmem:s6+$0x30]  }
0x1fb: {  	v1 =	vld [tilespmem:s6+$0xFFFFFFD0]  }
0x1fc: {  	v2 =	vld [tilespmem:s6+$0xFFFFFFE0]  }
0x1fd: {  	v3 =	vld [tilespmem:s6+$0xFFFFFFC0]  }
0x1fe: {  	v4 =	vld [tilespmem:s6+$0xFFFFFFF0]  }
0x1ff: {  	v5 =	vld [tilespmem:s6+$0x0]  }
0x200: {  	v6 =	vld [tilespmem:s6+$0x10]  }
0x201: {  	s24 =	simm.s32 $0x20C0;
	v7 =	vld [tilespmem:s6+$0x20]  }
0x202: {  	v8 =	vld [tilespmem:s24+$0x30];
	v0 =	vmul.f32 $1.629746550e+02, v0;
	v1 =	vmul.f32 $1.629746550e+02, v1  }
0x203: {  	v9 =	vld [tilespmem:s24+$0xFFFFFFD0];
	v2 =	vmul.f32 $1.629746550e+02, v2;
	v3 =	vmul.f32 $1.629746550e+02, v3  }
0x204: {  	v4 =	vmul.f32 $1.629746550e+02, v4;
	v5 =	vmul.f32 $1.629746550e+02, v5;
	v0 =	vadd.f32 $-5.000000000e-01, v0  }
0x205: {  	v6 =	vmul.f32 $1.629746550e+02, v6;
	v1 =	vadd.f32 $-5.000000000e-01, v1;
	v2 =	vadd.f32 $-5.000000000e-01, v2  }
0x206: {  	v7 =	vmul.f32 $1.629746550e+02, v7;
	v3 =	vadd.f32 $-5.000000000e-01, v3;
	v4 =	vadd.f32 $-5.000000000e-01, v4  }
0x207: {  	v10 =	vld [tilespmem:s24+$0xFFFFFFE0];
	v8 =	vmul.f32 $1.629746550e+02, v8;
	v5 =	vadd.f32 $-5.000000000e-01, v5;
	v0 =	vadd.f32 $1.258291200e+07, v0  }
0x208: {  	v9 =	vmul.f32 $1.629746550e+02, v9;
	v6 =	vadd.f32 $-5.000000000e-01, v6;
	v3 =	vadd.f32 $1.258291200e+07, v3  }
0x209: {  	v12 =	vld [tilespmem:s24+$0x0];
	v7 =	vadd.f32 $-5.000000000e-01, v7;
	v1 =	vadd.f32 $1.258291200e+07, v1;
	v0 =	vand.u32 $0x3FF, v0  }
0x20a: {  	v11 =	vld [tilespmem:s24+$0xFFFFFFF0];
	v2 =	vadd.f32 $1.258291200e+07, v2;
	v6 =	vadd.f32 $1.258291200e+07, v6;
	v3 =	vand.u32 $0x3FF, v3  }
0x20b: {  	v13 =	vld [tilespmem:s24+$0x10];
	v4 =	vadd.f32 $1.258291200e+07, v4;
	v5 =	vadd.f32 $1.258291200e+07, v5;
	v1 =	vand.u32 $0x3FF, v1  }
0x20c: {  	v14 =	vld [tilespmem:s24+$0x20];
	v2 =	vand.u32 $0x3FF, v2;
	v15 =	vand.u32 $0x3FF, v6;
	v6 =	vmul.f32 $1.629746550e+02, v10  }
0x20d: {  	v16 =	vld [tilespmem:s24+$0xFFFFFFC0];
	v8 =	vadd.f32 $-5.000000000e-01, v8;
	v7 =	vadd.f32 $1.258291200e+07, v7;
	v4 =	vand.u32 $0x3FF, v4  }
0x20e: {  	v5 =	vand.u32 $0x3FF, v5;
	v10 =	vadd.f32 $-5.000000000e-01, v6;
	v6 =	vmul.f32 $1.629746550e+02, v12;
	v0 =	vld.idx.msk [tilespmem:v0+s21+$0x0], $0xffff  }
0x20f: {  	v17 =	vand.u32 $0x3FF, v7;
	v7 =	vadd.f32 $-5.000000000e-01, v9;
	v9 =	vmul.f32 $1.629746550e+02, v11;
	v18 =	vld.idx.msk [tilespmem:v3+s21+$0x0], $0xffff  }
0x210: {  	v8 =	vadd.f32 $1.258291200e+07, v8;
	v12 =	vadd.f32 $-5.000000000e-01, v6;
	v3 =	vld.idx.msk [tilespmem:v1+s21+$0x0], $0xffff  }
0x211: {  	v1 =	vadd.f32 $1.258291200e+07, v7;
	v7 =	vadd.f32 $-5.000000000e-01, v9;
	v9 =	vmul.f32 $1.629746550e+02, v13;
	v2 =	vld.idx.msk [tilespmem:v2+s21+$0x0], $0xffff  }
0x212: {  	v6 =	vand.u32 $0x3FF, v8;
	v13 =	vmul.f32 $1.629746550e+02, v14;
	v4 =	vld.idx.msk [tilespmem:v4+s21+$0x0], $0xffff;
	v14 =	vadd.f32 $1.258291200e+07, v10  }
0x213: {  	s24 =	simm.s32 $0x8040;
	v8 =	vmul.f32 $1.629746550e+02, v16;
	v5 =	vld.idx.msk [tilespmem:v5+s21+$0x0], $0xffff;
	v12 =	vadd.f32 $1.258291200e+07, v12;
	v9 =	vadd.f32 $-5.000000000e-01, v9  }
0x214: {  	v11 =	vadd.f32 $1.258291200e+07, v7;
	v10 =	vadd.f32 $-5.000000000e-01, v13;
	v7 =	vld.idx.msk [tilespmem:v15+s21+$0x0], $0xffff;
	[tilespmem:s24+$0x30] =	vst v0  }
0x215: {  	s5 =	simm.s32 $0x8;
	s6 =	simm.s32 $0x2140;
	v13 =	vadd.f32 $-5.000000000e-01, v8;
	v8 =	vld.idx.msk [tilespmem:v17+s21+$0x0], $0xffff;
	v0 =	vand.u32 $0x3FF, v1;
	v1 =	vand.u32 $0x3FF, v14;
	[tilespmem:s24+$0xFFFFFFC0] =	vst v18  }
.LBB2_16:
0x216: {  	v14 =	vld [tilespmem:s6+$0x30];
	v11 =	vand.u32 $0x3FF, v11;
	v9 =	vadd.f32 $1.258291200e+07, v9;
	v10 =	vadd.f32 $1.258291200e+07, v10;
	[tilespmem:s24+$0xFFFFFFD0] =	vst v3  }
0x217: {  	s5 =	sadd.s32 $0x8, s5;
	v3 =	vadd.f32 $1.258291200e+07, v13;
	v12 =	vand.u32 $0x3FF, v12;
	v6 =	vld.idx.msk [tilespmem:v6+s21+$0x0], $0xffff;
	[tilespmem:s24+$0xFFFFFFE0] =	vst v2  }
0x218: {  	p0 =	slt.u32 s5, $0x1F8;
	v2 =	vld [tilespmem:s6+$0xFFFFFFD0];
	v13 =	vand.u32 $0x3FF, v9;
	v15 =	vand.u32 $0x3FF, v10;
	[tilespmem:s24+$0xFFFFFFF0] =	vst v4  }
0x219: {  	v4 =	vld [tilespmem:s6+$0xFFFFFFE0];
	v3 =	vand.u32 $0x3FF, v3;
	[tilespmem:s24+$0x0] =	vst v5  }
0x21a: {  	v5 =	vld [tilespmem:s6+$0xFFFFFFF0];
	[tilespmem:s24+$0x10] =	vst v7  }
0x21b: {  	v7 =	vld [tilespmem:s6+$0x0];
	[tilespmem:s24+$0x20] =	vst v8  }
0x21c: {  	v9 =	vmul.f32 $1.629746550e+02, v14;
	s24 =	sadd.s32 $0x80, s24;
	v8 =	vld [tilespmem:s6+$0x10]  }
0x21d: {  	v2 =	vmul.f32 $1.629746550e+02, v2;
	v10 =	vld [tilespmem:s6+$0x20];
	[tilespmem:s24+$0x30] =	vst v6  }
0x21e: {  	v6 =	vadd.f32 $-5.000000000e-01, v9;
	v14 =	vld [tilespmem:s6+$0xFFFFFFC0];
	v4 =	vmul.f32 $1.629746550e+02, v4  }
0x21f: {  	v2 =	vadd.f32 $-5.000000000e-01, v2;
	v5 =	vmul.f32 $1.629746550e+02, v5;
	v16 =	vld.idx.msk [tilespmem:v3+s21+$0x0], $0xffff  }
0x220: {  	v6 =	vadd.f32 $1.258291200e+07, v6;
	v9 =	vadd.f32 $-5.000000000e-01, v4;
	v4 =	vmul.f32 $1.629746550e+02, v7;
	v3 =	vld.idx.msk [tilespmem:v0+s21+$0x0], $0xffff  }
.Ltmp7:
0x221: {  	v0 =	vadd.f32 $1.258291200e+07, v2;
	v7 =	vadd.f32 $-5.000000000e-01, v5;
	v5 =	vmul.f32 $1.629746550e+02, v8;
	v2 =	vld.idx.msk [tilespmem:v1+s21+$0x0], $0xffff;
	(pc) =	sbr.rel @p0 .LBB2_16-.Ltmp7, $4  }
0x222: {  	v6 =	vand.u32 $0x3FF, v6;
	v8 =	vadd.f32 $-5.000000000e-01, v4;
	v1 =	vmul.f32 $1.629746550e+02, v10;
	v4 =	vld.idx.msk [tilespmem:v11+s21+$0x0], $0xffff  }
0x223: {  	v17 =	vadd.f32 $1.258291200e+07, v9;
	v14 =	vmul.f32 $1.629746550e+02, v14;
	v9 =	vadd.f32 $-5.000000000e-01, v5;
	v5 =	vld.idx.msk [tilespmem:v12+s21+$0x0], $0xffff  }
0x224: {  	v0 =	vand.u32 $0x3FF, v0;
	v11 =	vadd.f32 $1.258291200e+07, v7;
	v10 =	vadd.f32 $-5.000000000e-01, v1;
	v7 =	vld.idx.msk [tilespmem:v13+s21+$0x0], $0xffff  }
0x225: {  	s6 =	sadd.s32 $0x80, s6;
	v1 =	vand.u32 $0x3FF, v17;
	v12 =	vadd.f32 $1.258291200e+07, v8;
	v13 =	vadd.f32 $-5.000000000e-01, v14;
	[tilespmem:s24+$0xFFFFFFC0] =	vst v16;
	v8 =	vld.idx.msk [tilespmem:v15+s21+$0x0], $0xffff  }
0x226: {  	_ =	sdelay $0x1  }
0x227: {  	v11 =	vand.u32 $0x3FF, v11;
	v9 =	vadd.f32 $1.258291200e+07, v9  }
0x228: {  	[tilespmem:s24+$0xFFFFFFD0] =	vst v3;
	v58 =	vadd.f32 $1.258291200e+07, v10;
	v59 =	vand.u32 $0x3FF, v12  }
0x229: {  	v6 =	vld.idx.msk [tilespmem:v6+s21+$0x0], $0xffff;
	[tilespmem:s24+$0xFFFFFFE0] =	vst v2;
	v13 =	vadd.f32 $1.258291200e+07, v13;
	v60 =	vand.u32 $0x3FF, v9  }
0x22a: {  	v0 =	vld.idx.msk [tilespmem:v0+s21+$0x0], $0xffff;
	[tilespmem:s24+$0xFFFFFFF0] =	vst v4;
	v3 =	vand.u32 $0x3FF, v58  }
0x22b: {  	v1 =	vld.idx.msk [tilespmem:v1+s21+$0x0], $0xffff;
	[tilespmem:s24+$0x0] =	vst v5;
	v13 =	vand.u32 $0x3FF, v13  }
0x22c: {  	[tilespmem:s24+$0x10] =	vst v7;
	v62 =	vld.idx.msk [tilespmem:v11+s21+$0x0], $0xffff  }
0x22d: {  	s5 =	sadd.s32 $0x80, s24;
	[tilespmem:s24+$0x20] =	vst v8;
	v63 =	vld.idx.msk [tilespmem:v59+s21+$0x0], $0xffff  }
0x22e: {  	[tilespmem:s5+$0x30] =	vst v6;
	v2 =	vld.idx.msk [tilespmem:v60+s21+$0x0], $0xffff  }
0x22f: {  	[tilespmem:s5+$0xFFFFFFD0] =	vst v0;
	v3 =	vld.idx.msk [tilespmem:v3+s21+$0x0], $0xffff  }
0x230: {  	[tilespmem:s5+$0xFFFFFFE0] =	vst v1;
	v61 =	vld.idx.msk [tilespmem:v13+s21+$0x0], $0xffff  }
0x231: {  	[tilespmem:s5+$0xFFFFFFF0] =	vst v62  }
0x232: {  	[tilespmem:s5+$0x0] =	vst v63  }
0x233: {  	[tilespmem:s5+$0x10] =	vst v2  }
0x234: {  	[tilespmem:s5+$0x20] =	vst v3  }
0x235: {  	[tilespmem:s5+$0xFFFFFFC0] =	vst v61  }
0x236: {  	[hbm4b:s19+s3] =	stream.linear.scatter [tilespmem:s29], [sflag:$0x5], $0x2000, $0x38;
	[tilespmem:$0xC400] =	vst v63  }
0x237: {  	_ =	swait.ge [sflag:s1], $0x2000  }
0x238: {  	[sflag:s1] =	ssyncset.done $0x0  }
0x239: {  	s4 =	sadd.s32 $0x1, s4;
	[sflag:s1] =	ssyncadd.s32 $0xFFFFE000  }
0x23a: {  	p0 =	sne.s32 s4, s20;
	_ =	swait.ge [sflag:s0], $0x2000  }
.Ltmp8:
0x23b: {  	[sflag:s0] =	ssyncset.done $0x0;
	(pc) =	sbr.rel @p0 .LBB2_1-.Ltmp8, $4  }
0x23c: {  	[sflag:s0] =	ssyncadd.s32 $0xFFFFE000  }
0x23d: {  	_ =	swait.ge [sflag:s2], $0x2000  }
0x23e: {  	[sflag:s2] =	ssyncset.done $0x0  }
0x23f: {  	[sflag:s2] =	ssyncadd.s32 $0xFFFFE000  }
0x240: {  	_ =	sfence.sel $0x180000  }
0x241: {  	[bflag:$0x0] =	sbarrier.arrive $0xFFFF  }
0x242: {  	_ =	strace $0x90000047  }
0x243: {  	s0 =	stileid.u32;
	[bflag:$0x2] =	sbarrier.arrive $0xFFFF  }
0x244: {  	p0 =	sne.s32 s0, $0x0;
	s0 =	rddreg [dreg:$0x3]  }
0x245: {  	s0 =	sadd.s32 @!p0 $0x100000, s0  }
0x246: {  	[sflag:s0] =	ssyncadd.tile.s32 @!p0 $0x1;
	_ =	shalt  }
.Lfunc_end2:
_tile_overlayer_lowered:
.L_overlay_start_2:
0x247: {  	(tag) =	ssettag $0x2  }
0x248: {  	s0 =	rddreg [dreg:$0x0];
	s2 =	stileid.u32  }
0x249: {  	s1 =	rddreg [dreg:$0x1];
	p0 =	sne.s32 s2, $0x0  }
0x24a: {  	s3 =	rddreg [dreg:$0x2];
	[bflag:$0x3] =	sbarrier.arrive $0xFFFF;
	s2 =	simm.s32 @!p0 $0x1C07  }
0x24b: {  	[timem:s3], [sflag:s2] =	dma.local @!p0 [hbm:s0], s1  }
0x24c: {  	s0 =	simm.s32 @!p0 $0x7  }
0x24d: {  	_ =	swait.ge @!p0 [sflag:s0], s1  }
0x24e: {  	s1 =	ssub.s32 @!p0 $0x0, s1;
	[sflag:s0] =	ssyncset.done @!p0 $0x0  }
0x24f: {  	[sflag:s0] =	ssyncadd.s32 @!p0 s1  }
0x250: {  	[bflag:$0x3] =	sbarrier.arrive $0xFFFF  }
0x251: {  	_ =	shalt  }

</sc_bundles>
